<compile_context>
chip_gen: v7x
topology: tpu7x:2x2x1
jax: 0.10.2.dev20260603
libtpu: 0.0.44.dev20260713+nightly
codegen_flags: <defaults>
</compile_context>

<pallas_src>
import functools

import jax
import jax.numpy as jnp
from jax import lax
from jax.experimental import pallas as pl
from jax.experimental.pallas import tpu as pltpu
from jax.experimental.pallas import tpu_sc as plsc

NC, NS = 2, 16
NW = NC * NS
LANES = 16
DEPTH = 4
BAGS = 2
BAG_STRIDE = 64
ROW = BAGS * BAG_STRIDE


def _sc_body(chunks_per_w, l, d, table_hbm, tags_hbm, offs_hbm, out_hbm,
             idx_v, offs_v, rows_v, acc_v, *sems):
  wid = lax.axis_index("s") * NC + lax.axis_index("c")
  base = wid * chunks_per_w
  nq = d // LANES

  pltpu.sync_copy(tags_hbm.at[pl.ds(base, chunks_per_w)], idx_v)
  pltpu.sync_copy(offs_hbm.at[pl.ds(base, chunks_per_w)], offs_v)

  def gather(c, b, sem):
    return pltpu.make_async_copy(table_hbm.at[idx_v.at[c]], rows_v.at[b], sem)

  for b in range(DEPTH):
    gather(b, b, sems[b]).start()

  def accum(c, b):
    for s in range(BAGS):
      def body(r, carry):
        off = offs_v[c, pl.ds(s * BAG_STRIDE + r, 1)][0]
        return tuple(
            carry[q] +
            rows_v[b, s * BAG_STRIDE + r, pl.ds(off + q * LANES, LANES)]
            for q in range(nq))
      z = jnp.zeros((LANES,), jnp.float32)
      acc = lax.fori_loop(0, l, body, (z,) * nq)
      for q in range(nq):
        acc_v[c, pl.ds(s * d + q * LANES, LANES)] = acc[q]

  def group(g, carry):
    first = g * DEPTH
    for b in range(DEPTH):
      gather(first + b, b, sems[b]).wait()
      accum(first + b, b)
      nxt = first + b + DEPTH

      @pl.when(nxt < chunks_per_w)
      def _():
        gather(nxt, b, sems[b]).start()
    return carry

  lax.fori_loop(0, chunks_per_w // DEPTH, group, 0)

  pltpu.sync_copy(acc_v, out_hbm.at[pl.ds(base, chunks_per_w)])


def _sc_embedding_sum(table2, tags2, offs2, l, d_out):
  nrows, row = tags2.shape
  d_phys = table2.shape[1]
  chunks_per_w = nrows // NW
  mesh = plsc.VectorSubcoreMesh(core_axis_name="c", subcore_axis_name="s",
                                num_cores=NC, num_subcores=NS)
  body = functools.partial(_sc_body, chunks_per_w, l, d_out)
  f = pl.kernel(
      body,
      out_type=jax.ShapeDtypeStruct((nrows, BAGS * d_out), jnp.float32),
      mesh=mesh,
      scratch_types=[
          pltpu.VMEM((chunks_per_w, row), jnp.int32),
          pltpu.VMEM((chunks_per_w, row), jnp.int32),
          pltpu.VMEM((DEPTH, row, d_phys), jnp.float32),
          pltpu.VMEM((chunks_per_w, BAGS * d_out), jnp.float32),
      ] + [pltpu.SemaphoreType.DMA] * DEPTH,
      compiler_params=pltpu.CompilerParams(use_tc_tiling_on_sc=True),
  )
  return f(table2, tags2, offs2)


def _tc_body(tags_ref, summed_ref, w1_ref, b1_ref, w2_ref, b2_ref, out_ref):
  cnt = jnp.sum((tags_ref[...] != 0).astype(jnp.float32), axis=1,
                keepdims=True)
  pooled = summed_ref[...] / jnp.maximum(cnt, 1.0)
  h = lax.dot_general(pooled, w1_ref[...], (((1,), (1,)), ((), ())),
                      preferred_element_type=jnp.float32) + b1_ref[...]
  h = jnp.maximum(h, 0.0)
  out = lax.dot_general(h, w2_ref[...], (((1,), (1,)), ((), ())),
                        preferred_element_type=jnp.float32) + b2_ref[...]
  ss = jnp.sum(out * out, axis=1, keepdims=True)
  norm = jnp.maximum(jnp.sqrt(ss), 1e-12)
  out_ref[...] = out / norm


def _tc_mlp(tags, summed, w1, b1, w2, b2):
  b, d = summed.shape
  blk = 1024
  grid = b // blk
  return pl.pallas_call(
      _tc_body,
      grid=(grid,),
      in_specs=[
          pl.BlockSpec((blk, tags.shape[1]), lambda i: (i, 0)),
          pl.BlockSpec((blk, d), lambda i: (i, 0)),
          pl.BlockSpec((d, d), lambda i: (0, 0)),
          pl.BlockSpec((1, d), lambda i: (0, 0)),
          pl.BlockSpec((d, d), lambda i: (0, 0)),
          pl.BlockSpec((1, d), lambda i: (0, 0)),
      ],
      out_specs=pl.BlockSpec((blk, d), lambda i: (i, 0)),
      out_shape=jax.ShapeDtypeStruct((b, d), jnp.float32),
  )(tags, summed, w1, b1, w2, b2)


def kernel(tag_ids, table, W1, b1, W2, b2):
  b, l = tag_ids.shape
  v, d = table.shape
  tags = jnp.asarray(tag_ids, jnp.int32)
  npad = BAG_STRIDE - l
  fill = (jnp.arange(b * npad, dtype=jnp.int32).reshape(b, npad)
          % (v // 2))
  idx2 = jnp.concatenate([tags >> 1, fill], axis=1).reshape(b // BAGS, ROW)
  offs = jnp.concatenate(
      [(tags & 1) * d, jnp.zeros((b, npad), jnp.int32)],
      axis=1).reshape(b // BAGS, ROW)
  table2 = table.reshape(v // 2, 2 * d)
  summed2 = _sc_embedding_sum(table2, idx2, offs, l, d)
  summed = summed2.reshape(b, d)
  return _tc_mlp(tags, summed, W1, b1.reshape(1, d), W2, b2.reshape(1, d))

# --- scband reference (transcript-rebuilt; emitter-appended) ---
"""Pipeline reference for scband-tag-encoder-7052336300319 (READ-ONLY COPY).

The authoritative reference and input builder live on the scoring server;
editing this copy changes nothing except your own understanding.
"""

import jax, jax.numpy as jnp
import numpy as np

PAD_IDX = 0

def setup_inputs(seed: int = 0) -> dict:
    key = jax.random.key(seed)
    k1, k2, k3, k4 = jax.random.split(key, 4)
    V, D, B, L = 1000000, 64, 4096, 50
    table = jax.random.normal(k1, (V, D), dtype=jnp.float32) * 0.02
    table = table.at[PAD_IDX].set(0.0)
    W1 = jax.random.normal(k2, (D, D), dtype=jnp.float32) * (1.0 / np.sqrt(D))
    b1 = jnp.zeros((D,), dtype=jnp.float32)
    W2 = jax.random.normal(k3, (D, D), dtype=jnp.float32) * (1.0 / np.sqrt(D))
    b2 = jnp.zeros((D,), dtype=jnp.float32)
    tag_ids = jax.random.randint(k4, (B, L), 0, V).astype(jnp.int64)
    return {"tag_ids": tag_ids, "table": table, "W1": W1, "b1": b1, "W2": W2, "b2": b2}

def reference(tag_ids, table, W1, b1, W2, b2):
    # embedding lookup (gather)
    emb = jnp.take(table, tag_ids, axis=0)  # [B, L, D]
    mask = (tag_ids != PAD_IDX).astype(jnp.float32)[..., None]  # [B, L, 1]
    summed = (emb * mask).sum(axis=1)  # [B, D]
    counts = jnp.clip(mask.sum(axis=1), 1.0, None)  # [B, 1]
    pooled = summed / counts
    # proj: Linear -> ReLU -> Linear (torch Linear: x @ W.T + b)
    h = jnp.maximum(pooled @ W1.T + b1, 0.0)
    out = h @ W2.T + b2
    # F.normalize(dim=-1): x / max(||x||_2, eps)
    norm = jnp.maximum(jnp.linalg.norm(out, axis=-1, keepdims=True), 1e-12)
    return out / norm

if __name__ == "__main__":
    import jax
    _d = setup_inputs()
    print(jax.jit(kernel)(*tuple(_d.values())))

</pallas_src>

<mosaic_0001>
#map = affine_map<(d0, d1) -> (0, 0)>
module attributes {stable_mosaic.version = 14 : i64} {
  func.func @_sc_body(%arg0: i32, %arg1: i32, %arg2: memref<500000x128xf32, #tpu.memory_space<hbm>>, %arg3: memref<2048x128xi32, #tpu.memory_space<hbm>>, %arg4: memref<2048x128xi32, #tpu.memory_space<hbm>>, %arg5: memref<2048x128xf32, #tpu.memory_space<hbm>>, %arg6: memref<64x128xi32, #tpu.memory_space<vmem>>, %arg7: memref<64x128xi32, #tpu.memory_space<vmem>>, %arg8: memref<4x128x128xf32, #tpu.memory_space<vmem>>, %arg9: memref<64x128xf32, #tpu.memory_space<vmem>>, %arg10: memref<!tpu.dma_semaphore, #tpu.memory_space<semaphore_mem>>, %arg11: memref<!tpu.dma_semaphore, #tpu.memory_space<semaphore_mem>>, %arg12: memref<!tpu.dma_semaphore, #tpu.memory_space<semaphore_mem>>, %arg13: memref<!tpu.dma_semaphore, #tpu.memory_space<semaphore_mem>>) attributes {dimension_semantics = [#tpu.dimension_semantics<core_parallel>, #tpu.dimension_semantics<subcore_parallel>], iteration_bounds = array<i64: 2, 16>, scalar_prefetch = 0 : i64, scratch_operands = 8 : i64, tpu.core_type = #tpu.core_type<sc_vector_subcore>, window_params = [{transform_indices = #map}, {transform_indices = #map}, {transform_indices = #map}, {transform_indices = #map}]} {
    %mul3A = arith.constant 2 : i32
    %mul3A_0 = arith.muli %arg1, %mul3A : i32
    %add3A = arith.addi %mul3A_0, %arg0 : i32
    %mul3A_1 = arith.constant 64 : i32
    %mul3A_2 = arith.muli %add3A, %mul3A_1 : i32
    "tpu.region"() ({
      %run_scoped3A = tpu.sem_alloc : memref<!tpu.dma_semaphore, #tpu.memory_space<semaphore_mem>>
      %dma_start3A_55 = arith.constant 0 : i32
      %dma_start3A_56 = tpu.memref_slice %arg3[%mul3A_2, %dma_start3A_55] : memref<2048x128xi32, #tpu.memory_space<hbm>> -> memref<64x128xi32, #tpu.memory_space<hbm>>
      %dma_start3A_57 = arith.constant 0 : i32
      %dma_start3A_58 = tpu.memref_slice %arg3[%mul3A_2, %dma_start3A_57] : memref<2048x128xi32, #tpu.memory_space<hbm>> -> memref<64x128xi32, #tpu.memory_space<hbm>>
      tpu.enqueue_dma source(%dma_start3A_58 : memref<64x128xi32, #tpu.memory_space<hbm>>) target(%arg6 : memref<64x128xi32, #tpu.memory_space<vmem>>) target_semaphore(%run_scoped3A : memref<!tpu.dma_semaphore, #tpu.memory_space<semaphore_mem>>)
      %dma_wait3A = arith.constant 0 : i32
      %dma_wait3A_59 = tpu.memref_slice %arg3[%mul3A_2, %dma_wait3A] : memref<2048x128xi32, #tpu.memory_space<hbm>> -> memref<64x128xi32, #tpu.memory_space<hbm>>
      %dma_wait3A_60 = arith.constant 0 : i32
      %dma_wait3A_61 = tpu.memref_slice %arg3[%mul3A_2, %dma_wait3A_60] : memref<2048x128xi32, #tpu.memory_space<hbm>> -> memref<64x128xi32, #tpu.memory_space<hbm>>
      tpu.wait_dma2 semaphore(%run_scoped3A : memref<!tpu.dma_semaphore, #tpu.memory_space<semaphore_mem>>) src(%dma_wait3A_61 : memref<64x128xi32, #tpu.memory_space<hbm>>) dst(%arg6 : memref<64x128xi32, #tpu.memory_space<vmem>>)
      tpu.yield
    }) : () -> ()
    "tpu.region"() ({
      %run_scoped3A = tpu.sem_alloc : memref<!tpu.dma_semaphore, #tpu.memory_space<semaphore_mem>>
      %dma_start3A_55 = arith.constant 0 : i32
      %dma_start3A_56 = tpu.memref_slice %arg4[%mul3A_2, %dma_start3A_55] : memref<2048x128xi32, #tpu.memory_space<hbm>> -> memref<64x128xi32, #tpu.memory_space<hbm>>
      %dma_start3A_57 = arith.constant 0 : i32
      %dma_start3A_58 = tpu.memref_slice %arg4[%mul3A_2, %dma_start3A_57] : memref<2048x128xi32, #tpu.memory_space<hbm>> -> memref<64x128xi32, #tpu.memory_space<hbm>>
      tpu.enqueue_dma source(%dma_start3A_58 : memref<64x128xi32, #tpu.memory_space<hbm>>) target(%arg7 : memref<64x128xi32, #tpu.memory_space<vmem>>) target_semaphore(%run_scoped3A : memref<!tpu.dma_semaphore, #tpu.memory_space<semaphore_mem>>)
      %dma_wait3A = arith.constant 0 : i32
      %dma_wait3A_59 = tpu.memref_slice %arg4[%mul3A_2, %dma_wait3A] : memref<2048x128xi32, #tpu.memory_space<hbm>> -> memref<64x128xi32, #tpu.memory_space<hbm>>
      %dma_wait3A_60 = arith.constant 0 : i32
      %dma_wait3A_61 = tpu.memref_slice %arg4[%mul3A_2, %dma_wait3A_60] : memref<2048x128xi32, #tpu.memory_space<hbm>> -> memref<64x128xi32, #tpu.memory_space<hbm>>
      tpu.wait_dma2 semaphore(%run_scoped3A : memref<!tpu.dma_semaphore, #tpu.memory_space<semaphore_mem>>) src(%dma_wait3A_61 : memref<64x128xi32, #tpu.memory_space<hbm>>) dst(%arg7 : memref<64x128xi32, #tpu.memory_space<vmem>>)
      tpu.yield
    }) : () -> ()
    %dma_start3A = arith.constant 0 : i32
    %dma_start3A_3 = arith.constant 0 : i32
    %dma_start3A_4 = arith.constant 0 : i32
    %dma_start3A_5 = arith.constant 0 : i32
    %dma_start3A_6 = tpu.memref_slice %arg8[%dma_start3A_3, %dma_start3A_4, %dma_start3A_5] : memref<4x128x128xf32, #tpu.memory_space<vmem>> -> memref<1x128x128xf32, #tpu.memory_space<vmem>>
    %dma_start3A_7 = tpu.memref_squeeze %dma_start3A_6 : memref<1x128x128xf32, #tpu.memory_space<vmem>> -> memref<128x128xf32, #tpu.memory_space<vmem>>
    %dma_start3A_8 = arith.constant 0 : i32
    %dma_start3A_9 = tpu.memref_slice %arg6[%dma_start3A, %dma_start3A_8] : memref<64x128xi32, #tpu.memory_space<vmem>> -> memref<1x128xi32, #tpu.memory_space<vmem>>
    %dma_start3A_10 = tpu.memref_squeeze %dma_start3A_9 : memref<1x128xi32, #tpu.memory_space<vmem>> -> memref<128xi32, #tpu.memory_space<vmem>>
    %dma_start3A_11 = arith.constant 0 : i32
    %dma_start3A_12 = arith.constant 0 : i32
    %dma_start3A_13 = tpu.memref_slice %arg2[%dma_start3A_11, %dma_start3A_12] : memref<500000x128xf32, #tpu.memory_space<hbm>> -> memref<500000x128xf32, #tpu.memory_space<hbm>>
    tpu.enqueue_indirect_dma source(%dma_start3A_13 : memref<500000x128xf32, #tpu.memory_space<hbm>>) target(%dma_start3A_7 : memref<128x128xf32, #tpu.memory_space<vmem>>) offsets(%dma_start3A_10 : memref<128xi32, #tpu.memory_space<vmem>>) semaphore(%arg10 : memref<!tpu.dma_semaphore, #tpu.memory_space<semaphore_mem>>)
    %dma_start3A_14 = arith.constant 1 : i32
    %dma_start3A_15 = arith.constant 1 : i32
    %dma_start3A_16 = arith.constant 0 : i32
    %dma_start3A_17 = arith.constant 0 : i32
    %dma_start3A_18 = tpu.memref_slice %arg8[%dma_start3A_15, %dma_start3A_16, %dma_start3A_17] : memref<4x128x128xf32, #tpu.memory_space<vmem>> -> memref<1x128x128xf32, #tpu.memory_space<vmem>>
    %dma_start3A_19 = tpu.memref_squeeze %dma_start3A_18 : memref<1x128x128xf32, #tpu.memory_space<vmem>> -> memref<128x128xf32, #tpu.memory_space<vmem>>
    %dma_start3A_20 = arith.constant 0 : i32
    %dma_start3A_21 = tpu.memref_slice %arg6[%dma_start3A_14, %dma_start3A_20] : memref<64x128xi32, #tpu.memory_space<vmem>> -> memref<1x128xi32, #tpu.memory_space<vmem>>
    %dma_start3A_22 = tpu.memref_squeeze %dma_start3A_21 : memref<1x128xi32, #tpu.memory_space<vmem>> -> memref<128xi32, #tpu.memory_space<vmem>>
    %dma_start3A_23 = arith.constant 0 : i32
    %dma_start3A_24 = arith.constant 0 : i32
    %dma_start3A_25 = tpu.memref_slice %arg2[%dma_start3A_23, %dma_start3A_24] : memref<500000x128xf32, #tpu.memory_space<hbm>> -> memref<500000x128xf32, #tpu.memory_space<hbm>>
    tpu.enqueue_indirect_dma source(%dma_start3A_25 : memref<500000x128xf32, #tpu.memory_space<hbm>>) target(%dma_start3A_19 : memref<128x128xf32, #tpu.memory_space<vmem>>) offsets(%dma_start3A_22 : memref<128xi32, #tpu.memory_space<vmem>>) semaphore(%arg11 : memref<!tpu.dma_semaphore, #tpu.memory_space<semaphore_mem>>)
    %dma_start3A_26 = arith.constant 2 : i32
    %dma_start3A_27 = arith.constant 2 : i32
    %dma_start3A_28 = arith.constant 0 : i32
    %dma_start3A_29 = arith.constant 0 : i32
    %dma_start3A_30 = tpu.memref_slice %arg8[%dma_start3A_27, %dma_start3A_28, %dma_start3A_29] : memref<4x128x128xf32, #tpu.memory_space<vmem>> -> memref<1x128x128xf32, #tpu.memory_space<vmem>>
    %dma_start3A_31 = tpu.memref_squeeze %dma_start3A_30 : memref<1x128x128xf32, #tpu.memory_space<vmem>> -> memref<128x128xf32, #tpu.memory_space<vmem>>
    %dma_start3A_32 = arith.constant 0 : i32
    %dma_start3A_33 = tpu.memref_slice %arg6[%dma_start3A_26, %dma_start3A_32] : memref<64x128xi32, #tpu.memory_space<vmem>> -> memref<1x128xi32, #tpu.memory_space<vmem>>
    %dma_start3A_34 = tpu.memref_squeeze %dma_start3A_33 : memref<1x128xi32, #tpu.memory_space<vmem>> -> memref<128xi32, #tpu.memory_space<vmem>>
    %dma_start3A_35 = arith.constant 0 : i32
    %dma_start3A_36 = arith.constant 0 : i32
    %dma_start3A_37 = tpu.memref_slice %arg2[%dma_start3A_35, %dma_start3A_36] : memref<500000x128xf32, #tpu.memory_space<hbm>> -> memref<500000x128xf32, #tpu.memory_space<hbm>>
    tpu.enqueue_indirect_dma source(%dma_start3A_37 : memref<500000x128xf32, #tpu.memory_space<hbm>>) target(%dma_start3A_31 : memref<128x128xf32, #tpu.memory_space<vmem>>) offsets(%dma_start3A_34 : memref<128xi32, #tpu.memory_space<vmem>>) semaphore(%arg12 : memref<!tpu.dma_semaphore, #tpu.memory_space<semaphore_mem>>)
    %dma_start3A_38 = arith.constant 3 : i32
    %dma_start3A_39 = arith.constant 3 : i32
    %dma_start3A_40 = arith.constant 0 : i32
    %dma_start3A_41 = arith.constant 0 : i32
    %dma_start3A_42 = tpu.memref_slice %arg8[%dma_start3A_39, %dma_start3A_40, %dma_start3A_41] : memref<4x128x128xf32, #tpu.memory_space<vmem>> -> memref<1x128x128xf32, #tpu.memory_space<vmem>>
    %dma_start3A_43 = tpu.memref_squeeze %dma_start3A_42 : memref<1x128x128xf32, #tpu.memory_space<vmem>> -> memref<128x128xf32, #tpu.memory_space<vmem>>
    %dma_start3A_44 = arith.constant 0 : i32
    %dma_start3A_45 = tpu.memref_slice %arg6[%dma_start3A_38, %dma_start3A_44] : memref<64x128xi32, #tpu.memory_space<vmem>> -> memref<1x128xi32, #tpu.memory_space<vmem>>
    %dma_start3A_46 = tpu.memref_squeeze %dma_start3A_45 : memref<1x128xi32, #tpu.memory_space<vmem>> -> memref<128xi32, #tpu.memory_space<vmem>>
    %dma_start3A_47 = arith.constant 0 : i32
    %dma_start3A_48 = arith.constant 0 : i32
    %dma_start3A_49 = tpu.memref_slice %arg2[%dma_start3A_47, %dma_start3A_48] : memref<500000x128xf32, #tpu.memory_space<hbm>> -> memref<500000x128xf32, #tpu.memory_space<hbm>>
    tpu.enqueue_indirect_dma source(%dma_start3A_49 : memref<500000x128xf32, #tpu.memory_space<hbm>>) target(%dma_start3A_43 : memref<128x128xf32, #tpu.memory_space<vmem>>) offsets(%dma_start3A_46 : memref<128xi32, #tpu.memory_space<vmem>>) semaphore(%arg13 : memref<!tpu.dma_semaphore, #tpu.memory_space<semaphore_mem>>)
    %scan3A = arith.constant 0 : i32
    %scan3A_50 = arith.constant 0 : i32
    %scan3A_51 = arith.constant 16 : i32
    %scan3A_52 = arith.addi %scan3A_50, %scan3A_51 : i32
    %scan3A_53 = arith.constant 1 : i32
    scf.for %scan3A_55 = %scan3A_50 to %scan3A_52 step %scan3A_53  : i32 {
      %mul3A_56 = arith.constant 4 : i32
      %mul3A_57 = arith.muli %scan3A_55, %mul3A_56 : i32
      %add3A_58 = arith.constant 0 : i32
      %add3A_59 = arith.addi %mul3A_57, %add3A_58 : i32
      %dma_wait3A = arith.constant 0 : i32
      %dma_wait3A_60 = arith.constant 0 : i32
      %dma_wait3A_61 = arith.constant 0 : i32
      %dma_wait3A_62 = tpu.memref_slice %arg8[%dma_wait3A, %dma_wait3A_60, %dma_wait3A_61] : memref<4x128x128xf32, #tpu.memory_space<vmem>> -> memref<1x128x128xf32, #tpu.memory_space<vmem>>
      %dma_wait3A_63 = tpu.memref_squeeze %dma_wait3A_62 : memref<1x128x128xf32, #tpu.memory_space<vmem>> -> memref<128x128xf32, #tpu.memory_space<vmem>>
      %dma_wait3A_64 = arith.constant 0 : i32
      %dma_wait3A_65 = tpu.memref_slice %arg6[%add3A_59, %dma_wait3A_64] : memref<64x128xi32, #tpu.memory_space<vmem>> -> memref<1x128xi32, #tpu.memory_space<vmem>>
      %dma_wait3A_66 = tpu.memref_squeeze %dma_wait3A_65 : memref<1x128xi32, #tpu.memory_space<vmem>> -> memref<128xi32, #tpu.memory_space<vmem>>
      %dma_wait3A_67 = arith.constant 0 : i32
      %dma_wait3A_68 = arith.constant 0 : i32
      %dma_wait3A_69 = tpu.memref_slice %arg2[%dma_wait3A_67, %dma_wait3A_68] : memref<500000x128xf32, #tpu.memory_space<hbm>> -> memref<500000x128xf32, #tpu.memory_space<hbm>>
      tpu.wait_indirect_dma semaphore(%arg10 : memref<!tpu.dma_semaphore, #tpu.memory_space<semaphore_mem>>) src(%dma_wait3A_69 : memref<500000x128xf32, #tpu.memory_space<hbm>>) dst(%dma_wait3A_63 : memref<128x128xf32, #tpu.memory_space<vmem>>)
      %add3A_70 = arith.constant 0 : i32
      %add3A_71 = arith.addi %mul3A_57, %add3A_70 : i32
      %broadcast_in_dim3A = arith.constant 0.000000e+00 : f32
      %broadcast_in_dim3A_72 = vector.broadcast %broadcast_in_dim3A : f32 to vector<16xf32>
      %scan3A_73 = arith.constant 0 : i32
      %scan3A_74 = arith.constant 50 : i32
      %scan3A_75 = arith.addi %scan3A_73, %scan3A_74 : i32
      %scan3A_76 = arith.constant 1 : i32
      %scan3A_77:4 = scf.for %scan3A_372 = %scan3A_73 to %scan3A_75 step %scan3A_76 iter_args(%scan3A_373 = %broadcast_in_dim3A_72, %scan3A_374 = %broadcast_in_dim3A_72, %scan3A_375 = %broadcast_in_dim3A_72, %scan3A_376 = %broadcast_in_dim3A_72) -> (vector<16xf32>, vector<16xf32>, vector<16xf32>, vector<16xf32>)  : i32 {
        %add3A_377 = arith.constant 0 : i32
        %add3A_378 = arith.addi %add3A_377, %scan3A_372 : i32
        %get3A = arith.index_cast %add3A_71 : i32 to index
        %get3A_379 = arith.index_cast %add3A_378 : i32 to index
        %get3A_380 = tpu.vector_load %arg7[%get3A, %get3A_379] {strides = array<i32>} : memref<64x128xi32, #tpu.memory_space<vmem>>, vector<1x1xi32>,
        %get3A_381 = vector.shape_cast %get3A_380 : vector<1x1xi32> to vector<1xi32>
        %squeeze3A = vector.extract %get3A_381[0] : i32 from vector<1xi32>
        %add3A_382 = arith.constant 0 : i32
        %add3A_383 = arith.addi %add3A_382, %scan3A_372 : i32
        %add3A_384 = arith.constant 0 : i32
        %add3A_385 = arith.addi %squeeze3A, %add3A_384 : i32
        %get3A_386 = arith.constant 0 : i32
        %get3A_387 = arith.index_cast %get3A_386 : i32 to index
        %get3A_388 = arith.index_cast %add3A_383 : i32 to index
        %get3A_389 = arith.index_cast %add3A_385 : i32 to index
        %get3A_390 = tpu.vector_load %arg8[%get3A_387, %get3A_388, %get3A_389] {strides = array<i32>} : memref<4x128x128xf32, #tpu.memory_space<vmem>>, vector<1x1x16xf32>,
        %get3A_391 = vector.shape_cast %get3A_390 : vector<1x1x16xf32> to vector<16xf32>
        %add3A_392 = arith.addf %scan3A_373, %get3A_391 : vector<16xf32>
        %add3A_393 = arith.constant 0 : i32
        %add3A_394 = arith.addi %add3A_393, %scan3A_372 : i32
        %add3A_395 = arith.constant 16 : i32
        %add3A_396 = arith.addi %squeeze3A, %add3A_395 : i32
        %get3A_397 = arith.constant 0 : i32
        %get3A_398 = arith.index_cast %get3A_397 : i32 to index
        %get3A_399 = arith.index_cast %add3A_394 : i32 to index
        %get3A_400 = arith.index_cast %add3A_396 : i32 to index
        %get3A_401 = tpu.vector_load %arg8[%get3A_398, %get3A_399, %get3A_400] {strides = array<i32>} : memref<4x128x128xf32, #tpu.memory_space<vmem>>, vector<1x1x16xf32>,
        %get3A_402 = vector.shape_cast %get3A_401 : vector<1x1x16xf32> to vector<16xf32>
        %add3A_403 = arith.addf %scan3A_374, %get3A_402 : vector<16xf32>
        %add3A_404 = arith.constant 0 : i32
        %add3A_405 = arith.addi %add3A_404, %scan3A_372 : i32
        %add3A_406 = arith.constant 32 : i32
        %add3A_407 = arith.addi %squeeze3A, %add3A_406 : i32
        %get3A_408 = arith.constant 0 : i32
        %get3A_409 = arith.index_cast %get3A_408 : i32 to index
        %get3A_410 = arith.index_cast %add3A_405 : i32 to index
        %get3A_411 = arith.index_cast %add3A_407 : i32 to index
        %get3A_412 = tpu.vector_load %arg8[%get3A_409, %get3A_410, %get3A_411] {strides = array<i32>} : memref<4x128x128xf32, #tpu.memory_space<vmem>>, vector<1x1x16xf32>,
        %get3A_413 = vector.shape_cast %get3A_412 : vector<1x1x16xf32> to vector<16xf32>
        %add3A_414 = arith.addf %scan3A_375, %get3A_413 : vector<16xf32>
        %add3A_415 = arith.constant 0 : i32
        %add3A_416 = arith.addi %add3A_415, %scan3A_372 : i32
        %add3A_417 = arith.constant 48 : i32
        %add3A_418 = arith.addi %squeeze3A, %add3A_417 : i32
        %get3A_419 = arith.constant 0 : i32
        %get3A_420 = arith.index_cast %get3A_419 : i32 to index
        %get3A_421 = arith.index_cast %add3A_416 : i32 to index
        %get3A_422 = arith.index_cast %add3A_418 : i32 to index
        %get3A_423 = tpu.vector_load %arg8[%get3A_420, %get3A_421, %get3A_422] {strides = array<i32>} : memref<4x128x128xf32, #tpu.memory_space<vmem>>, vector<1x1x16xf32>,
        %get3A_424 = vector.shape_cast %get3A_423 : vector<1x1x16xf32> to vector<16xf32>
        %add3A_425 = arith.addf %scan3A_376, %get3A_424 : vector<16xf32>
        scf.yield %add3A_392, %add3A_403, %add3A_414, %add3A_425 : vector<16xf32>, vector<16xf32>, vector<16xf32>, vector<16xf32>
      }
      %scan3A_78 = arith.constant 50 : i32
      %swap3A = arith.index_cast %add3A_71 : i32 to index
      %swap3A_79 = arith.constant 0 : index
      %swap3A_80 = tpu.vector_load %arg9[%swap3A, %swap3A_79] {strides = array<i32>} : memref<64x128xf32, #tpu.memory_space<vmem>>, vector<1x16xf32>,
      %swap3A_81 = vector.shape_cast %swap3A_80 : vector<1x16xf32> to vector<16xf32>
      %swap3A_82 = vector.shape_cast %scan3A_77#0 : vector<16xf32> to vector<1x16xf32>
      tpu.vector_store %arg9[%swap3A, %swap3A_79], %swap3A_82 {strides = array<i32>} : memref<64x128xf32, #tpu.memory_space<vmem>>, vector<1x16xf32>,
      %swap3A_83 = arith.index_cast %add3A_71 : i32 to index
      %swap3A_84 = arith.constant 16 : index
      %swap3A_85 = tpu.vector_load %arg9[%swap3A_83, %swap3A_84] {strides = array<i32>} : memref<64x128xf32, #tpu.memory_space<vmem>>, vector<1x16xf32>,
      %swap3A_86 = vector.shape_cast %swap3A_85 : vector<1x16xf32> to vector<16xf32>
      %swap3A_87 = vector.shape_cast %scan3A_77#1 : vector<16xf32> to vector<1x16xf32>
      tpu.vector_store %arg9[%swap3A_83, %swap3A_84], %swap3A_87 {strides = array<i32>} : memref<64x128xf32, #tpu.memory_space<vmem>>, vector<1x16xf32>,
      %swap3A_88 = arith.index_cast %add3A_71 : i32 to index
      %swap3A_89 = arith.constant 32 : index
      %swap3A_90 = tpu.vector_load %arg9[%swap3A_88, %swap3A_89] {strides = array<i32>} : memref<64x128xf32, #tpu.memory_space<vmem>>, vector<1x16xf32>,
      %swap3A_91 = vector.shape_cast %swap3A_90 : vector<1x16xf32> to vector<16xf32>
      %swap3A_92 = vector.shape_cast %scan3A_77#2 : vector<16xf32> to vector<1x16xf32>
      tpu.vector_store %arg9[%swap3A_88, %swap3A_89], %swap3A_92 {strides = array<i32>} : memref<64x128xf32, #tpu.memory_space<vmem>>, vector<1x16xf32>,
      %swap3A_93 = arith.index_cast %add3A_71 : i32 to index
      %swap3A_94 = arith.constant 48 : index
      %swap3A_95 = tpu.vector_load %arg9[%swap3A_93, %swap3A_94] {strides = array<i32>} : memref<64x128xf32, #tpu.memory_space<vmem>>, vector<1x16xf32>,
      %swap3A_96 = vector.shape_cast %swap3A_95 : vector<1x16xf32> to vector<16xf32>
      %swap3A_97 = vector.shape_cast %scan3A_77#3 : vector<16xf32> to vector<1x16xf32>
      tpu.vector_store %arg9[%swap3A_93, %swap3A_94], %swap3A_97 {strides = array<i32>} : memref<64x128xf32, #tpu.memory_space<vmem>>, vector<1x16xf32>,
      %broadcast_in_dim3A_98 = arith.constant 0.000000e+00 : f32
      %broadcast_in_dim3A_99 = vector.broadcast %broadcast_in_dim3A_98 : f32 to vector<16xf32>
      %scan3A_100 = arith.constant 0 : i32
      %scan3A_101 = arith.constant 50 : i32
      %scan3A_102 = arith.addi %scan3A_100, %scan3A_101 : i32
      %scan3A_103 = arith.constant 1 : i32
      %scan3A_104:4 = scf.for %scan3A_372 = %scan3A_100 to %scan3A_102 step %scan3A_103 iter_args(%scan3A_373 = %broadcast_in_dim3A_99, %scan3A_374 = %broadcast_in_dim3A_99, %scan3A_375 = %broadcast_in_dim3A_99, %scan3A_376 = %broadcast_in_dim3A_99) -> (vector<16xf32>, vector<16xf32>, vector<16xf32>, vector<16xf32>)  : i32 {
        %add3A_377 = arith.constant 64 : i32
        %add3A_378 = arith.addi %add3A_377, %scan3A_372 : i32
        %get3A = arith.index_cast %add3A_71 : i32 to index
        %get3A_379 = arith.index_cast %add3A_378 : i32 to index
        %get3A_380 = tpu.vector_load %arg7[%get3A, %get3A_379] {strides = array<i32>} : memref<64x128xi32, #tpu.memory_space<vmem>>, vector<1x1xi32>,
        %get3A_381 = vector.shape_cast %get3A_380 : vector<1x1xi32> to vector<1xi32>
        %squeeze3A = vector.extract %get3A_381[0] : i32 from vector<1xi32>
        %add3A_382 = arith.constant 64 : i32
        %add3A_383 = arith.addi %add3A_382, %scan3A_372 : i32
        %add3A_384 = arith.constant 0 : i32
        %add3A_385 = arith.addi %squeeze3A, %add3A_384 : i32
        %get3A_386 = arith.constant 0 : i32
        %get3A_387 = arith.index_cast %get3A_386 : i32 to index
        %get3A_388 = arith.index_cast %add3A_383 : i32 to index
        %get3A_389 = arith.index_cast %add3A_385 : i32 to index
        %get3A_390 = tpu.vector_load %arg8[%get3A_387, %get3A_388, %get3A_389] {strides = array<i32>} : memref<4x128x128xf32, #tpu.memory_space<vmem>>, vector<1x1x16xf32>,
        %get3A_391 = vector.shape_cast %get3A_390 : vector<1x1x16xf32> to vector<16xf32>
        %add3A_392 = arith.addf %scan3A_373, %get3A_391 : vector<16xf32>
        %add3A_393 = arith.constant 64 : i32
        %add3A_394 = arith.addi %add3A_393, %scan3A_372 : i32
        %add3A_395 = arith.constant 16 : i32
        %add3A_396 = arith.addi %squeeze3A, %add3A_395 : i32
        %get3A_397 = arith.constant 0 : i32
        %get3A_398 = arith.index_cast %get3A_397 : i32 to index
        %get3A_399 = arith.index_cast %add3A_394 : i32 to index
        %get3A_400 = arith.index_cast %add3A_396 : i32 to index
        %get3A_401 = tpu.vector_load %arg8[%get3A_398, %get3A_399, %get3A_400] {strides = array<i32>} : memref<4x128x128xf32, #tpu.memory_space<vmem>>, vector<1x1x16xf32>,
        %get3A_402 = vector.shape_cast %get3A_401 : vector<1x1x16xf32> to vector<16xf32>
        %add3A_403 = arith.addf %scan3A_374, %get3A_402 : vector<16xf32>
        %add3A_404 = arith.constant 64 : i32
        %add3A_405 = arith.addi %add3A_404, %scan3A_372 : i32
        %add3A_406 = arith.constant 32 : i32
        %add3A_407 = arith.addi %squeeze3A, %add3A_406 : i32
        %get3A_408 = arith.constant 0 : i32
        %get3A_409 = arith.index_cast %get3A_408 : i32 to index
        %get3A_410 = arith.index_cast %add3A_405 : i32 to index
        %get3A_411 = arith.index_cast %add3A_407 : i32 to index
        %get3A_412 = tpu.vector_load %arg8[%get3A_409, %get3A_410, %get3A_411] {strides = array<i32>} : memref<4x128x128xf32, #tpu.memory_space<vmem>>, vector<1x1x16xf32>,
        %get3A_413 = vector.shape_cast %get3A_412 : vector<1x1x16xf32> to vector<16xf32>
        %add3A_414 = arith.addf %scan3A_375, %get3A_413 : vector<16xf32>
        %add3A_415 = arith.constant 64 : i32
        %add3A_416 = arith.addi %add3A_415, %scan3A_372 : i32
        %add3A_417 = arith.constant 48 : i32
        %add3A_418 = arith.addi %squeeze3A, %add3A_417 : i32
        %get3A_419 = arith.constant 0 : i32
        %get3A_420 = arith.index_cast %get3A_419 : i32 to index
        %get3A_421 = arith.index_cast %add3A_416 : i32 to index
        %get3A_422 = arith.index_cast %add3A_418 : i32 to index
        %get3A_423 = tpu.vector_load %arg8[%get3A_420, %get3A_421, %get3A_422] {strides = array<i32>} : memref<4x128x128xf32, #tpu.memory_space<vmem>>, vector<1x1x16xf32>,
        %get3A_424 = vector.shape_cast %get3A_423 : vector<1x1x16xf32> to vector<16xf32>
        %add3A_425 = arith.addf %scan3A_376, %get3A_424 : vector<16xf32>
        scf.yield %add3A_392, %add3A_403, %add3A_414, %add3A_425 : vector<16xf32>, vector<16xf32>, vector<16xf32>, vector<16xf32>
      }
      %scan3A_105 = arith.constant 50 : i32
      %swap3A_106 = arith.index_cast %add3A_71 : i32 to index
      %swap3A_107 = arith.constant 64 : index
      %swap3A_108 = tpu.vector_load %arg9[%swap3A_106, %swap3A_107] {strides = array<i32>} : memref<64x128xf32, #tpu.memory_space<vmem>>, vector<1x16xf32>,
      %swap3A_109 = vector.shape_cast %swap3A_108 : vector<1x16xf32> to vector<16xf32>
      %swap3A_110 = vector.shape_cast %scan3A_104#0 : vector<16xf32> to vector<1x16xf32>
      tpu.vector_store %arg9[%swap3A_106, %swap3A_107], %swap3A_110 {strides = array<i32>} : memref<64x128xf32, #tpu.memory_space<vmem>>, vector<1x16xf32>,
      %swap3A_111 = arith.index_cast %add3A_71 : i32 to index
      %swap3A_112 = arith.constant 80 : index
      %swap3A_113 = tpu.vector_load %arg9[%swap3A_111, %swap3A_112] {strides = array<i32>} : memref<64x128xf32, #tpu.memory_space<vmem>>, vector<1x16xf32>,
      %swap3A_114 = vector.shape_cast %swap3A_113 : vector<1x16xf32> to vector<16xf32>
      %swap3A_115 = vector.shape_cast %scan3A_104#1 : vector<16xf32> to vector<1x16xf32>
      tpu.vector_store %arg9[%swap3A_111, %swap3A_112], %swap3A_115 {strides = array<i32>} : memref<64x128xf32, #tpu.memory_space<vmem>>, vector<1x16xf32>,
      %swap3A_116 = arith.index_cast %add3A_71 : i32 to index
      %swap3A_117 = arith.constant 96 : index
      %swap3A_118 = tpu.vector_load %arg9[%swap3A_116, %swap3A_117] {strides = array<i32>} : memref<64x128xf32, #tpu.memory_space<vmem>>, vector<1x16xf32>,
      %swap3A_119 = vector.shape_cast %swap3A_118 : vector<1x16xf32> to vector<16xf32>
      %swap3A_120 = vector.shape_cast %scan3A_104#2 : vector<16xf32> to vector<1x16xf32>
      tpu.vector_store %arg9[%swap3A_116, %swap3A_117], %swap3A_120 {strides = array<i32>} : memref<64x128xf32, #tpu.memory_space<vmem>>, vector<1x16xf32>,
      %swap3A_121 = arith.index_cast %add3A_71 : i32 to index
      %swap3A_122 = arith.constant 112 : index
      %swap3A_123 = tpu.vector_load %arg9[%swap3A_121, %swap3A_122] {strides = array<i32>} : memref<64x128xf32, #tpu.memory_space<vmem>>, vector<1x16xf32>,
      %swap3A_124 = vector.shape_cast %swap3A_123 : vector<1x16xf32> to vector<16xf32>
      %swap3A_125 = vector.shape_cast %scan3A_104#3 : vector<16xf32> to vector<1x16xf32>
      tpu.vector_store %arg9[%swap3A_121, %swap3A_122], %swap3A_125 {strides = array<i32>} : memref<64x128xf32, #tpu.memory_space<vmem>>, vector<1x16xf32>,
      %add3A_126 = arith.constant 0 : i32
      %add3A_127 = arith.addi %mul3A_57, %add3A_126 : i32
      %add3A_128 = arith.constant 4 : i32
      %add3A_129 = arith.addi %add3A_127, %add3A_128 : i32
      %lt3A = arith.constant 64 : i32
      %lt3A_130 = arith.cmpi slt, %add3A_129, %lt3A : i32
      %convert_element_type3A = arith.extui %lt3A_130 : i1 to i32
      %cond3A = arith.constant 0 : i32
      %cond3A_131 = arith.cmpi ne, %convert_element_type3A, %cond3A : i32
      scf.if %cond3A_131 {
        %dma_start3A_372 = arith.constant 0 : i32
        %dma_start3A_373 = arith.constant 0 : i32
        %dma_start3A_374 = arith.constant 0 : i32
        %dma_start3A_375 = tpu.memref_slice %arg8[%dma_start3A_372, %dma_start3A_373, %dma_start3A_374] : memref<4x128x128xf32, #tpu.memory_space<vmem>> -> memref<1x128x128xf32, #tpu.memory_space<vmem>>
        %dma_start3A_376 = tpu.memref_squeeze %dma_start3A_375 : memref<1x128x128xf32, #tpu.memory_space<vmem>> -> memref<128x128xf32, #tpu.memory_space<vmem>>
        %dma_start3A_377 = arith.constant 0 : i32
        %dma_start3A_378 = tpu.memref_slice %arg6[%add3A_129, %dma_start3A_377] : memref<64x128xi32, #tpu.memory_space<vmem>> -> memref<1x128xi32, #tpu.memory_space<vmem>>
        %dma_start3A_379 = tpu.memref_squeeze %dma_start3A_378 : memref<1x128xi32, #tpu.memory_space<vmem>> -> memref<128xi32, #tpu.memory_space<vmem>>
        %dma_start3A_380 = arith.constant 0 : i32
        %dma_start3A_381 = arith.constant 0 : i32
        %dma_start3A_382 = tpu.memref_slice %arg2[%dma_start3A_380, %dma_start3A_381] : memref<500000x128xf32, #tpu.memory_space<hbm>> -> memref<500000x128xf32, #tpu.memory_space<hbm>>
        tpu.enqueue_indirect_dma source(%dma_start3A_382 : memref<500000x128xf32, #tpu.memory_space<hbm>>) target(%dma_start3A_376 : memref<128x128xf32, #tpu.memory_space<vmem>>) offsets(%dma_start3A_379 : memref<128xi32, #tpu.memory_space<vmem>>) semaphore(%arg10 : memref<!tpu.dma_semaphore, #tpu.memory_space<semaphore_mem>>)
      } else {
      }
      %add3A_132 = arith.constant 1 : i32
      %add3A_133 = arith.addi %mul3A_57, %add3A_132 : i32
      %dma_wait3A_134 = arith.constant 1 : i32
      %dma_wait3A_135 = arith.constant 0 : i32
      %dma_wait3A_136 = arith.constant 0 : i32
      %dma_wait3A_137 = tpu.memref_slice %arg8[%dma_wait3A_134, %dma_wait3A_135, %dma_wait3A_136] : memref<4x128x128xf32, #tpu.memory_space<vmem>> -> memref<1x128x128xf32, #tpu.memory_space<vmem>>
      %dma_wait3A_138 = tpu.memref_squeeze %dma_wait3A_137 : memref<1x128x128xf32, #tpu.memory_space<vmem>> -> memref<128x128xf32, #tpu.memory_space<vmem>>
      %dma_wait3A_139 = arith.constant 0 : i32
      %dma_wait3A_140 = tpu.memref_slice %arg6[%add3A_133, %dma_wait3A_139] : memref<64x128xi32, #tpu.memory_space<vmem>> -> memref<1x128xi32, #tpu.memory_space<vmem>>
      %dma_wait3A_141 = tpu.memref_squeeze %dma_wait3A_140 : memref<1x128xi32, #tpu.memory_space<vmem>> -> memref<128xi32, #tpu.memory_space<vmem>>
      %dma_wait3A_142 = arith.constant 0 : i32
      %dma_wait3A_143 = arith.constant 0 : i32
      %dma_wait3A_144 = tpu.memref_slice %arg2[%dma_wait3A_142, %dma_wait3A_143] : memref<500000x128xf32, #tpu.memory_space<hbm>> -> memref<500000x128xf32, #tpu.memory_space<hbm>>
      tpu.wait_indirect_dma semaphore(%arg11 : memref<!tpu.dma_semaphore, #tpu.memory_space<semaphore_mem>>) src(%dma_wait3A_144 : memref<500000x128xf32, #tpu.memory_space<hbm>>) dst(%dma_wait3A_138 : memref<128x128xf32, #tpu.memory_space<vmem>>)
      %add3A_145 = arith.constant 1 : i32
      %add3A_146 = arith.addi %mul3A_57, %add3A_145 : i32
      %broadcast_in_dim3A_147 = arith.constant 0.000000e+00 : f32
      %broadcast_in_dim3A_148 = vector.broadcast %broadcast_in_dim3A_147 : f32 to vector<16xf32>
      %scan3A_149 = arith.constant 0 : i32
      %scan3A_150 = arith.constant 50 : i32
      %scan3A_151 = arith.addi %scan3A_149, %scan3A_150 : i32
      %scan3A_152 = arith.constant 1 : i32
      %scan3A_153:4 = scf.for %scan3A_372 = %scan3A_149 to %scan3A_151 step %scan3A_152 iter_args(%scan3A_373 = %broadcast_in_dim3A_148, %scan3A_374 = %broadcast_in_dim3A_148, %scan3A_375 = %broadcast_in_dim3A_148, %scan3A_376 = %broadcast_in_dim3A_148) -> (vector<16xf32>, vector<16xf32>, vector<16xf32>, vector<16xf32>)  : i32 {
        %add3A_377 = arith.constant 0 : i32
        %add3A_378 = arith.addi %add3A_377, %scan3A_372 : i32
        %get3A = arith.index_cast %add3A_146 : i32 to index
        %get3A_379 = arith.index_cast %add3A_378 : i32 to index
        %get3A_380 = tpu.vector_load %arg7[%get3A, %get3A_379] {strides = array<i32>} : memref<64x128xi32, #tpu.memory_space<vmem>>, vector<1x1xi32>,
        %get3A_381 = vector.shape_cast %get3A_380 : vector<1x1xi32> to vector<1xi32>
        %squeeze3A = vector.extract %get3A_381[0] : i32 from vector<1xi32>
        %add3A_382 = arith.constant 0 : i32
        %add3A_383 = arith.addi %add3A_382, %scan3A_372 : i32
        %add3A_384 = arith.constant 0 : i32
        %add3A_385 = arith.addi %squeeze3A, %add3A_384 : i32
        %get3A_386 = arith.constant 1 : i32
        %get3A_387 = arith.index_cast %get3A_386 : i32 to index
        %get3A_388 = arith.index_cast %add3A_383 : i32 to index
        %get3A_389 = arith.index_cast %add3A_385 : i32 to index
        %get3A_390 = tpu.vector_load %arg8[%get3A_387, %get3A_388, %get3A_389] {strides = array<i32>} : memref<4x128x128xf32, #tpu.memory_space<vmem>>, vector<1x1x16xf32>,
        %get3A_391 = vector.shape_cast %get3A_390 : vector<1x1x16xf32> to vector<16xf32>
        %add3A_392 = arith.addf %scan3A_373, %get3A_391 : vector<16xf32>
        %add3A_393 = arith.constant 0 : i32
        %add3A_394 = arith.addi %add3A_393, %scan3A_372 : i32
        %add3A_395 = arith.constant 16 : i32
        %add3A_396 = arith.addi %squeeze3A, %add3A_395 : i32
        %get3A_397 = arith.constant 1 : i32
        %get3A_398 = arith.index_cast %get3A_397 : i32 to index
        %get3A_399 = arith.index_cast %add3A_394 : i32 to index
        %get3A_400 = arith.index_cast %add3A_396 : i32 to index
        %get3A_401 = tpu.vector_load %arg8[%get3A_398, %get3A_399, %get3A_400] {strides = array<i32>} : memref<4x128x128xf32, #tpu.memory_space<vmem>>, vector<1x1x16xf32>,
        %get3A_402 = vector.shape_cast %get3A_401 : vector<1x1x16xf32> to vector<16xf32>
        %add3A_403 = arith.addf %scan3A_374, %get3A_402 : vector<16xf32>
        %add3A_404 = arith.constant 0 : i32
        %add3A_405 = arith.addi %add3A_404, %scan3A_372 : i32
        %add3A_406 = arith.constant 32 : i32
        %add3A_407 = arith.addi %squeeze3A, %add3A_406 : i32
        %get3A_408 = arith.constant 1 : i32
        %get3A_409 = arith.index_cast %get3A_408 : i32 to index
        %get3A_410 = arith.index_cast %add3A_405 : i32 to index
        %get3A_411 = arith.index_cast %add3A_407 : i32 to index
        %get3A_412 = tpu.vector_load %arg8[%get3A_409, %get3A_410, %get3A_411] {strides = array<i32>} : memref<4x128x128xf32, #tpu.memory_space<vmem>>, vector<1x1x16xf32>,
        %get3A_413 = vector.shape_cast %get3A_412 : vector<1x1x16xf32> to vector<16xf32>
        %add3A_414 = arith.addf %scan3A_375, %get3A_413 : vector<16xf32>
        %add3A_415 = arith.constant 0 : i32
        %add3A_416 = arith.addi %add3A_415, %scan3A_372 : i32
        %add3A_417 = arith.constant 48 : i32
        %add3A_418 = arith.addi %squeeze3A, %add3A_417 : i32
        %get3A_419 = arith.constant 1 : i32
        %get3A_420 = arith.index_cast %get3A_419 : i32 to index
        %get3A_421 = arith.index_cast %add3A_416 : i32 to index
        %get3A_422 = arith.index_cast %add3A_418 : i32 to index
        %get3A_423 = tpu.vector_load %arg8[%get3A_420, %get3A_421, %get3A_422] {strides = array<i32>} : memref<4x128x128xf32, #tpu.memory_space<vmem>>, vector<1x1x16xf32>,
        %get3A_424 = vector.shape_cast %get3A_423 : vector<1x1x16xf32> to vector<16xf32>
        %add3A_425 = arith.addf %scan3A_376, %get3A_424 : vector<16xf32>
        scf.yield %add3A_392, %add3A_403, %add3A_414, %add3A_425 : vector<16xf32>, vector<16xf32>, vector<16xf32>, vector<16xf32>
      }
      %scan3A_154 = arith.constant 50 : i32
      %swap3A_155 = arith.index_cast %add3A_146 : i32 to index
      %swap3A_156 = arith.constant 0 : index
      %swap3A_157 = tpu.vector_load %arg9[%swap3A_155, %swap3A_156] {strides = array<i32>} : memref<64x128xf32, #tpu.memory_space<vmem>>, vector<1x16xf32>,
      %swap3A_158 = vector.shape_cast %swap3A_157 : vector<1x16xf32> to vector<16xf32>
      %swap3A_159 = vector.shape_cast %scan3A_153#0 : vector<16xf32> to vector<1x16xf32>
      tpu.vector_store %arg9[%swap3A_155, %swap3A_156], %swap3A_159 {strides = array<i32>} : memref<64x128xf32, #tpu.memory_space<vmem>>, vector<1x16xf32>,
      %swap3A_160 = arith.index_cast %add3A_146 : i32 to index
      %swap3A_161 = arith.constant 16 : index
      %swap3A_162 = tpu.vector_load %arg9[%swap3A_160, %swap3A_161] {strides = array<i32>} : memref<64x128xf32, #tpu.memory_space<vmem>>, vector<1x16xf32>,
      %swap3A_163 = vector.shape_cast %swap3A_162 : vector<1x16xf32> to vector<16xf32>
      %swap3A_164 = vector.shape_cast %scan3A_153#1 : vector<16xf32> to vector<1x16xf32>
      tpu.vector_store %arg9[%swap3A_160, %swap3A_161], %swap3A_164 {strides = array<i32>} : memref<64x128xf32, #tpu.memory_space<vmem>>, vector<1x16xf32>,
      %swap3A_165 = arith.index_cast %add3A_146 : i32 to index
      %swap3A_166 = arith.constant 32 : index
      %swap3A_167 = tpu.vector_load %arg9[%swap3A_165, %swap3A_166] {strides = array<i32>} : memref<64x128xf32, #tpu.memory_space<vmem>>, vector<1x16xf32>,
      %swap3A_168 = vector.shape_cast %swap3A_167 : vector<1x16xf32> to vector<16xf32>
      %swap3A_169 = vector.shape_cast %scan3A_153#2 : vector<16xf32> to vector<1x16xf32>
      tpu.vector_store %arg9[%swap3A_165, %swap3A_166], %swap3A_169 {strides = array<i32>} : memref<64x128xf32, #tpu.memory_space<vmem>>, vector<1x16xf32>,
      %swap3A_170 = arith.index_cast %add3A_146 : i32 to index
      %swap3A_171 = arith.constant 48 : index
      %swap3A_172 = tpu.vector_load %arg9[%swap3A_170, %swap3A_171] {strides = array<i32>} : memref<64x128xf32, #tpu.memory_space<vmem>>, vector<1x16xf32>,
      %swap3A_173 = vector.shape_cast %swap3A_172 : vector<1x16xf32> to vector<16xf32>
      %swap3A_174 = vector.shape_cast %scan3A_153#3 : vector<16xf32> to vector<1x16xf32>
      tpu.vector_store %arg9[%swap3A_170, %swap3A_171], %swap3A_174 {strides = array<i32>} : memref<64x128xf32, #tpu.memory_space<vmem>>, vector<1x16xf32>,
      %broadcast_in_dim3A_175 = arith.constant 0.000000e+00 : f32
      %broadcast_in_dim3A_176 = vector.broadcast %broadcast_in_dim3A_175 : f32 to vector<16xf32>
      %scan3A_177 = arith.constant 0 : i32
      %scan3A_178 = arith.constant 50 : i32
      %scan3A_179 = arith.addi %scan3A_177, %scan3A_178 : i32
      %scan3A_180 = arith.constant 1 : i32
      %scan3A_181:4 = scf.for %scan3A_372 = %scan3A_177 to %scan3A_179 step %scan3A_180 iter_args(%scan3A_373 = %broadcast_in_dim3A_176, %scan3A_374 = %broadcast_in_dim3A_176, %scan3A_375 = %broadcast_in_dim3A_176, %scan3A_376 = %broadcast_in_dim3A_176) -> (vector<16xf32>, vector<16xf32>, vector<16xf32>, vector<16xf32>)  : i32 {
        %add3A_377 = arith.constant 64 : i32
        %add3A_378 = arith.addi %add3A_377, %scan3A_372 : i32
        %get3A = arith.index_cast %add3A_146 : i32 to index
        %get3A_379 = arith.index_cast %add3A_378 : i32 to index
        %get3A_380 = tpu.vector_load %arg7[%get3A, %get3A_379] {strides = array<i32>} : memref<64x128xi32, #tpu.memory_space<vmem>>, vector<1x1xi32>,
        %get3A_381 = vector.shape_cast %get3A_380 : vector<1x1xi32> to vector<1xi32>
        %squeeze3A = vector.extract %get3A_381[0] : i32 from vector<1xi32>
        %add3A_382 = arith.constant 64 : i32
        %add3A_383 = arith.addi %add3A_382, %scan3A_372 : i32
        %add3A_384 = arith.constant 0 : i32
        %add3A_385 = arith.addi %squeeze3A, %add3A_384 : i32
        %get3A_386 = arith.constant 1 : i32
        %get3A_387 = arith.index_cast %get3A_386 : i32 to index
        %get3A_388 = arith.index_cast %add3A_383 : i32 to index
        %get3A_389 = arith.index_cast %add3A_385 : i32 to index
        %get3A_390 = tpu.vector_load %arg8[%get3A_387, %get3A_388, %get3A_389] {strides = array<i32>} : memref<4x128x128xf32, #tpu.memory_space<vmem>>, vector<1x1x16xf32>,
        %get3A_391 = vector.shape_cast %get3A_390 : vector<1x1x16xf32> to vector<16xf32>
        %add3A_392 = arith.addf %scan3A_373, %get3A_391 : vector<16xf32>
        %add3A_393 = arith.constant 64 : i32
        %add3A_394 = arith.addi %add3A_393, %scan3A_372 : i32
        %add3A_395 = arith.constant 16 : i32
        %add3A_396 = arith.addi %squeeze3A, %add3A_395 : i32
        %get3A_397 = arith.constant 1 : i32
        %get3A_398 = arith.index_cast %get3A_397 : i32 to index
        %get3A_399 = arith.index_cast %add3A_394 : i32 to index
        %get3A_400 = arith.index_cast %add3A_396 : i32 to index
        %get3A_401 = tpu.vector_load %arg8[%get3A_398, %get3A_399, %get3A_400] {strides = array<i32>} : memref<4x128x128xf32, #tpu.memory_space<vmem>>, vector<1x1x16xf32>,
        %get3A_402 = vector.shape_cast %get3A_401 : vector<1x1x16xf32> to vector<16xf32>
        %add3A_403 = arith.addf %scan3A_374, %get3A_402 : vector<16xf32>
        %add3A_404 = arith.constant 64 : i32
        %add3A_405 = arith.addi %add3A_404, %scan3A_372 : i32
        %add3A_406 = arith.constant 32 : i32
        %add3A_407 = arith.addi %squeeze3A, %add3A_406 : i32
        %get3A_408 = arith.constant 1 : i32
        %get3A_409 = arith.index_cast %get3A_408 : i32 to index
        %get3A_410 = arith.index_cast %add3A_405 : i32 to index
        %get3A_411 = arith.index_cast %add3A_407 : i32 to index
        %get3A_412 = tpu.vector_load %arg8[%get3A_409, %get3A_410, %get3A_411] {strides = array<i32>} : memref<4x128x128xf32, #tpu.memory_space<vmem>>, vector<1x1x16xf32>,
        %get3A_413 = vector.shape_cast %get3A_412 : vector<1x1x16xf32> to vector<16xf32>
        %add3A_414 = arith.addf %scan3A_375, %get3A_413 : vector<16xf32>
        %add3A_415 = arith.constant 64 : i32
        %add3A_416 = arith.addi %add3A_415, %scan3A_372 : i32
        %add3A_417 = arith.constant 48 : i32
        %add3A_418 = arith.addi %squeeze3A, %add3A_417 : i32
        %get3A_419 = arith.constant 1 : i32
        %get3A_420 = arith.index_cast %get3A_419 : i32 to index
        %get3A_421 = arith.index_cast %add3A_416 : i32 to index
        %get3A_422 = arith.index_cast %add3A_418 : i32 to index
        %get3A_423 = tpu.vector_load %arg8[%get3A_420, %get3A_421, %get3A_422] {strides = array<i32>} : memref<4x128x128xf32, #tpu.memory_space<vmem>>, vector<1x1x16xf32>,
        %get3A_424 = vector.shape_cast %get3A_423 : vector<1x1x16xf32> to vector<16xf32>
        %add3A_425 = arith.addf %scan3A_376, %get3A_424 : vector<16xf32>
        scf.yield %add3A_392, %add3A_403, %add3A_414, %add3A_425 : vector<16xf32>, vector<16xf32>, vector<16xf32>, vector<16xf32>
      }
      %scan3A_182 = arith.constant 50 : i32
      %swap3A_183 = arith.index_cast %add3A_146 : i32 to index
      %swap3A_184 = arith.constant 64 : index
      %swap3A_185 = tpu.vector_load %arg9[%swap3A_183, %swap3A_184] {strides = array<i32>} : memref<64x128xf32, #tpu.memory_space<vmem>>, vector<1x16xf32>,
      %swap3A_186 = vector.shape_cast %swap3A_185 : vector<1x16xf32> to vector<16xf32>
      %swap3A_187 = vector.shape_cast %scan3A_181#0 : vector<16xf32> to vector<1x16xf32>
      tpu.vector_store %arg9[%swap3A_183, %swap3A_184], %swap3A_187 {strides = array<i32>} : memref<64x128xf32, #tpu.memory_space<vmem>>, vector<1x16xf32>,
      %swap3A_188 = arith.index_cast %add3A_146 : i32 to index
      %swap3A_189 = arith.constant 80 : index
      %swap3A_190 = tpu.vector_load %arg9[%swap3A_188, %swap3A_189] {strides = array<i32>} : memref<64x128xf32, #tpu.memory_space<vmem>>, vector<1x16xf32>,
      %swap3A_191 = vector.shape_cast %swap3A_190 : vector<1x16xf32> to vector<16xf32>
      %swap3A_192 = vector.shape_cast %scan3A_181#1 : vector<16xf32> to vector<1x16xf32>
      tpu.vector_store %arg9[%swap3A_188, %swap3A_189], %swap3A_192 {strides = array<i32>} : memref<64x128xf32, #tpu.memory_space<vmem>>, vector<1x16xf32>,
      %swap3A_193 = arith.index_cast %add3A_146 : i32 to index
      %swap3A_194 = arith.constant 96 : index
      %swap3A_195 = tpu.vector_load %arg9[%swap3A_193, %swap3A_194] {strides = array<i32>} : memref<64x128xf32, #tpu.memory_space<vmem>>, vector<1x16xf32>,
      %swap3A_196 = vector.shape_cast %swap3A_195 : vector<1x16xf32> to vector<16xf32>
      %swap3A_197 = vector.shape_cast %scan3A_181#2 : vector<16xf32> to vector<1x16xf32>
      tpu.vector_store %arg9[%swap3A_193, %swap3A_194], %swap3A_197 {strides = array<i32>} : memref<64x128xf32, #tpu.memory_space<vmem>>, vector<1x16xf32>,
      %swap3A_198 = arith.index_cast %add3A_146 : i32 to index
      %swap3A_199 = arith.constant 112 : index
      %swap3A_200 = tpu.vector_load %arg9[%swap3A_198, %swap3A_199] {strides = array<i32>} : memref<64x128xf32, #tpu.memory_space<vmem>>, vector<1x16xf32>,
      %swap3A_201 = vector.shape_cast %swap3A_200 : vector<1x16xf32> to vector<16xf32>
      %swap3A_202 = vector.shape_cast %scan3A_181#3 : vector<16xf32> to vector<1x16xf32>
      tpu.vector_store %arg9[%swap3A_198, %swap3A_199], %swap3A_202 {strides = array<i32>} : memref<64x128xf32, #tpu.memory_space<vmem>>, vector<1x16xf32>,
      %add3A_203 = arith.constant 1 : i32
      %add3A_204 = arith.addi %mul3A_57, %add3A_203 : i32
      %add3A_205 = arith.constant 4 : i32
      %add3A_206 = arith.addi %add3A_204, %add3A_205 : i32
      %lt3A_207 = arith.constant 64 : i32
      %lt3A_208 = arith.cmpi slt, %add3A_206, %lt3A_207 : i32
      %convert_element_type3A_209 = arith.extui %lt3A_208 : i1 to i32
      %cond3A_210 = arith.constant 0 : i32
      %cond3A_211 = arith.cmpi ne, %convert_element_type3A_209, %cond3A_210 : i32
      scf.if %cond3A_211 {
        %dma_start3A_372 = arith.constant 1 : i32
        %dma_start3A_373 = arith.constant 0 : i32
        %dma_start3A_374 = arith.constant 0 : i32
        %dma_start3A_375 = tpu.memref_slice %arg8[%dma_start3A_372, %dma_start3A_373, %dma_start3A_374] : memref<4x128x128xf32, #tpu.memory_space<vmem>> -> memref<1x128x128xf32, #tpu.memory_space<vmem>>
        %dma_start3A_376 = tpu.memref_squeeze %dma_start3A_375 : memref<1x128x128xf32, #tpu.memory_space<vmem>> -> memref<128x128xf32, #tpu.memory_space<vmem>>
        %dma_start3A_377 = arith.constant 0 : i32
        %dma_start3A_378 = tpu.memref_slice %arg6[%add3A_206, %dma_start3A_377] : memref<64x128xi32, #tpu.memory_space<vmem>> -> memref<1x128xi32, #tpu.memory_space<vmem>>
        %dma_start3A_379 = tpu.memref_squeeze %dma_start3A_378 : memref<1x128xi32, #tpu.memory_space<vmem>> -> memref<128xi32, #tpu.memory_space<vmem>>
        %dma_start3A_380 = arith.constant 0 : i32
        %dma_start3A_381 = arith.constant 0 : i32
        %dma_start3A_382 = tpu.memref_slice %arg2[%dma_start3A_380, %dma_start3A_381] : memref<500000x128xf32, #tpu.memory_space<hbm>> -> memref<500000x128xf32, #tpu.memory_space<hbm>>
        tpu.enqueue_indirect_dma source(%dma_start3A_382 : memref<500000x128xf32, #tpu.memory_space<hbm>>) target(%dma_start3A_376 : memref<128x128xf32, #tpu.memory_space<vmem>>) offsets(%dma_start3A_379 : memref<128xi32, #tpu.memory_space<vmem>>) semaphore(%arg11 : memref<!tpu.dma_semaphore, #tpu.memory_space<semaphore_mem>>)
      } else {
      }
      %add3A_212 = arith.constant 2 : i32
      %add3A_213 = arith.addi %mul3A_57, %add3A_212 : i32
      %dma_wait3A_214 = arith.constant 2 : i32
      %dma_wait3A_215 = arith.constant 0 : i32
      %dma_wait3A_216 = arith.constant 0 : i32
      %dma_wait3A_217 = tpu.memref_slice %arg8[%dma_wait3A_214, %dma_wait3A_215, %dma_wait3A_216] : memref<4x128x128xf32, #tpu.memory_space<vmem>> -> memref<1x128x128xf32, #tpu.memory_space<vmem>>
      %dma_wait3A_218 = tpu.memref_squeeze %dma_wait3A_217 : memref<1x128x128xf32, #tpu.memory_space<vmem>> -> memref<128x128xf32, #tpu.memory_space<vmem>>
      %dma_wait3A_219 = arith.constant 0 : i32
      %dma_wait3A_220 = tpu.memref_slice %arg6[%add3A_213, %dma_wait3A_219] : memref<64x128xi32, #tpu.memory_space<vmem>> -> memref<1x128xi32, #tpu.memory_space<vmem>>
      %dma_wait3A_221 = tpu.memref_squeeze %dma_wait3A_220 : memref<1x128xi32, #tpu.memory_space<vmem>> -> memref<128xi32, #tpu.memory_space<vmem>>
      %dma_wait3A_222 = arith.constant 0 : i32
      %dma_wait3A_223 = arith.constant 0 : i32
      %dma_wait3A_224 = tpu.memref_slice %arg2[%dma_wait3A_222, %dma_wait3A_223] : memref<500000x128xf32, #tpu.memory_space<hbm>> -> memref<500000x128xf32, #tpu.memory_space<hbm>>
      tpu.wait_indirect_dma semaphore(%arg12 : memref<!tpu.dma_semaphore, #tpu.memory_space<semaphore_mem>>) src(%dma_wait3A_224 : memref<500000x128xf32, #tpu.memory_space<hbm>>) dst(%dma_wait3A_218 : memref<128x128xf32, #tpu.memory_space<vmem>>)
      %add3A_225 = arith.constant 2 : i32
      %add3A_226 = arith.addi %mul3A_57, %add3A_225 : i32
      %broadcast_in_dim3A_227 = arith.constant 0.000000e+00 : f32
      %broadcast_in_dim3A_228 = vector.broadcast %broadcast_in_dim3A_227 : f32 to vector<16xf32>
      %scan3A_229 = arith.constant 0 : i32
      %scan3A_230 = arith.constant 50 : i32
      %scan3A_231 = arith.addi %scan3A_229, %scan3A_230 : i32
      %scan3A_232 = arith.constant 1 : i32
      %scan3A_233:4 = scf.for %scan3A_372 = %scan3A_229 to %scan3A_231 step %scan3A_232 iter_args(%scan3A_373 = %broadcast_in_dim3A_228, %scan3A_374 = %broadcast_in_dim3A_228, %scan3A_375 = %broadcast_in_dim3A_228, %scan3A_376 = %broadcast_in_dim3A_228) -> (vector<16xf32>, vector<16xf32>, vector<16xf32>, vector<16xf32>)  : i32 {
        %add3A_377 = arith.constant 0 : i32
        %add3A_378 = arith.addi %add3A_377, %scan3A_372 : i32
        %get3A = arith.index_cast %add3A_226 : i32 to index
        %get3A_379 = arith.index_cast %add3A_378 : i32 to index
        %get3A_380 = tpu.vector_load %arg7[%get3A, %get3A_379] {strides = array<i32>} : memref<64x128xi32, #tpu.memory_space<vmem>>, vector<1x1xi32>,
        %get3A_381 = vector.shape_cast %get3A_380 : vector<1x1xi32> to vector<1xi32>
        %squeeze3A = vector.extract %get3A_381[0] : i32 from vector<1xi32>
        %add3A_382 = arith.constant 0 : i32
        %add3A_383 = arith.addi %add3A_382, %scan3A_372 : i32
        %add3A_384 = arith.constant 0 : i32
        %add3A_385 = arith.addi %squeeze3A, %add3A_384 : i32
        %get3A_386 = arith.constant 2 : i32
        %get3A_387 = arith.index_cast %get3A_386 : i32 to index
        %get3A_388 = arith.index_cast %add3A_383 : i32 to index
        %get3A_389 = arith.index_cast %add3A_385 : i32 to index
        %get3A_390 = tpu.vector_load %arg8[%get3A_387, %get3A_388, %get3A_389] {strides = array<i32>} : memref<4x128x128xf32, #tpu.memory_space<vmem>>, vector<1x1x16xf32>,
        %get3A_391 = vector.shape_cast %get3A_390 : vector<1x1x16xf32> to vector<16xf32>
        %add3A_392 = arith.addf %scan3A_373, %get3A_391 : vector<16xf32>
        %add3A_393 = arith.constant 0 : i32
        %add3A_394 = arith.addi %add3A_393, %scan3A_372 : i32
        %add3A_395 = arith.constant 16 : i32
        %add3A_396 = arith.addi %squeeze3A, %add3A_395 : i32
        %get3A_397 = arith.constant 2 : i32
        %get3A_398 = arith.index_cast %get3A_397 : i32 to index
        %get3A_399 = arith.index_cast %add3A_394 : i32 to index
        %get3A_400 = arith.index_cast %add3A_396 : i32 to index
        %get3A_401 = tpu.vector_load %arg8[%get3A_398, %get3A_399, %get3A_400] {strides = array<i32>} : memref<4x128x128xf32, #tpu.memory_space<vmem>>, vector<1x1x16xf32>,
        %get3A_402 = vector.shape_cast %get3A_401 : vector<1x1x16xf32> to vector<16xf32>
        %add3A_403 = arith.addf %scan3A_374, %get3A_402 : vector<16xf32>
        %add3A_404 = arith.constant 0 : i32
        %add3A_405 = arith.addi %add3A_404, %scan3A_372 : i32
        %add3A_406 = arith.constant 32 : i32
        %add3A_407 = arith.addi %squeeze3A, %add3A_406 : i32
        %get3A_408 = arith.constant 2 : i32
        %get3A_409 = arith.index_cast %get3A_408 : i32 to index
        %get3A_410 = arith.index_cast %add3A_405 : i32 to index
        %get3A_411 = arith.index_cast %add3A_407 : i32 to index
        %get3A_412 = tpu.vector_load %arg8[%get3A_409, %get3A_410, %get3A_411] {strides = array<i32>} : memref<4x128x128xf32, #tpu.memory_space<vmem>>, vector<1x1x16xf32>,
        %get3A_413 = vector.shape_cast %get3A_412 : vector<1x1x16xf32> to vector<16xf32>
        %add3A_414 = arith.addf %scan3A_375, %get3A_413 : vector<16xf32>
        %add3A_415 = arith.constant 0 : i32
        %add3A_416 = arith.addi %add3A_415, %scan3A_372 : i32
        %add3A_417 = arith.constant 48 : i32
        %add3A_418 = arith.addi %squeeze3A, %add3A_417 : i32
        %get3A_419 = arith.constant 2 : i32
        %get3A_420 = arith.index_cast %get3A_419 : i32 to index
        %get3A_421 = arith.index_cast %add3A_416 : i32 to index
        %get3A_422 = arith.index_cast %add3A_418 : i32 to index
        %get3A_423 = tpu.vector_load %arg8[%get3A_420, %get3A_421, %get3A_422] {strides = array<i32>} : memref<4x128x128xf32, #tpu.memory_space<vmem>>, vector<1x1x16xf32>,
        %get3A_424 = vector.shape_cast %get3A_423 : vector<1x1x16xf32> to vector<16xf32>
        %add3A_425 = arith.addf %scan3A_376, %get3A_424 : vector<16xf32>
        scf.yield %add3A_392, %add3A_403, %add3A_414, %add3A_425 : vector<16xf32>, vector<16xf32>, vector<16xf32>, vector<16xf32>
      }
      %scan3A_234 = arith.constant 50 : i32
      %swap3A_235 = arith.index_cast %add3A_226 : i32 to index
      %swap3A_236 = arith.constant 0 : index
      %swap3A_237 = tpu.vector_load %arg9[%swap3A_235, %swap3A_236] {strides = array<i32>} : memref<64x128xf32, #tpu.memory_space<vmem>>, vector<1x16xf32>,
      %swap3A_238 = vector.shape_cast %swap3A_237 : vector<1x16xf32> to vector<16xf32>
      %swap3A_239 = vector.shape_cast %scan3A_233#0 : vector<16xf32> to vector<1x16xf32>
      tpu.vector_store %arg9[%swap3A_235, %swap3A_236], %swap3A_239 {strides = array<i32>} : memref<64x128xf32, #tpu.memory_space<vmem>>, vector<1x16xf32>,
      %swap3A_240 = arith.index_cast %add3A_226 : i32 to index
      %swap3A_241 = arith.constant 16 : index
      %swap3A_242 = tpu.vector_load %arg9[%swap3A_240, %swap3A_241] {strides = array<i32>} : memref<64x128xf32, #tpu.memory_space<vmem>>, vector<1x16xf32>,
      %swap3A_243 = vector.shape_cast %swap3A_242 : vector<1x16xf32> to vector<16xf32>
      %swap3A_244 = vector.shape_cast %scan3A_233#1 : vector<16xf32> to vector<1x16xf32>
      tpu.vector_store %arg9[%swap3A_240, %swap3A_241], %swap3A_244 {strides = array<i32>} : memref<64x128xf32, #tpu.memory_space<vmem>>, vector<1x16xf32>,
      %swap3A_245 = arith.index_cast %add3A_226 : i32 to index
      %swap3A_246 = arith.constant 32 : index
      %swap3A_247 = tpu.vector_load %arg9[%swap3A_245, %swap3A_246] {strides = array<i32>} : memref<64x128xf32, #tpu.memory_space<vmem>>, vector<1x16xf32>,
      %swap3A_248 = vector.shape_cast %swap3A_247 : vector<1x16xf32> to vector<16xf32>
      %swap3A_249 = vector.shape_cast %scan3A_233#2 : vector<16xf32> to vector<1x16xf32>
      tpu.vector_store %arg9[%swap3A_245, %swap3A_246], %swap3A_249 {strides = array<i32>} : memref<64x128xf32, #tpu.memory_space<vmem>>, vector<1x16xf32>,
      %swap3A_250 = arith.index_cast %add3A_226 : i32 to index
      %swap3A_251 = arith.constant 48 : index
      %swap3A_252 = tpu.vector_load %arg9[%swap3A_250, %swap3A_251] {strides = array<i32>} : memref<64x128xf32, #tpu.memory_space<vmem>>, vector<1x16xf32>,
      %swap3A_253 = vector.shape_cast %swap3A_252 : vector<1x16xf32> to vector<16xf32>
      %swap3A_254 = vector.shape_cast %scan3A_233#3 : vector<16xf32> to vector<1x16xf32>
      tpu.vector_store %arg9[%swap3A_250, %swap3A_251], %swap3A_254 {strides = array<i32>} : memref<64x128xf32, #tpu.memory_space<vmem>>, vector<1x16xf32>,
      %broadcast_in_dim3A_255 = arith.constant 0.000000e+00 : f32
      %broadcast_in_dim3A_256 = vector.broadcast %broadcast_in_dim3A_255 : f32 to vector<16xf32>
      %scan3A_257 = arith.constant 0 : i32
      %scan3A_258 = arith.constant 50 : i32
      %scan3A_259 = arith.addi %scan3A_257, %scan3A_258 : i32
      %scan3A_260 = arith.constant 1 : i32
      %scan3A_261:4 = scf.for %scan3A_372 = %scan3A_257 to %scan3A_259 step %scan3A_260 iter_args(%scan3A_373 = %broadcast_in_dim3A_256, %scan3A_374 = %broadcast_in_dim3A_256, %scan3A_375 = %broadcast_in_dim3A_256, %scan3A_376 = %broadcast_in_dim3A_256) -> (vector<16xf32>, vector<16xf32>, vector<16xf32>, vector<16xf32>)  : i32 {
        %add3A_377 = arith.constant 64 : i32
        %add3A_378 = arith.addi %add3A_377, %scan3A_372 : i32
        %get3A = arith.index_cast %add3A_226 : i32 to index
        %get3A_379 = arith.index_cast %add3A_378 : i32 to index
        %get3A_380 = tpu.vector_load %arg7[%get3A, %get3A_379] {strides = array<i32>} : memref<64x128xi32, #tpu.memory_space<vmem>>, vector<1x1xi32>,
        %get3A_381 = vector.shape_cast %get3A_380 : vector<1x1xi32> to vector<1xi32>
        %squeeze3A = vector.extract %get3A_381[0] : i32 from vector<1xi32>
        %add3A_382 = arith.constant 64 : i32
        %add3A_383 = arith.addi %add3A_382, %scan3A_372 : i32
        %add3A_384 = arith.constant 0 : i32
        %add3A_385 = arith.addi %squeeze3A, %add3A_384 : i32
        %get3A_386 = arith.constant 2 : i32
        %get3A_387 = arith.index_cast %get3A_386 : i32 to index
        %get3A_388 = arith.index_cast %add3A_383 : i32 to index
        %get3A_389 = arith.index_cast %add3A_385 : i32 to index
        %get3A_390 = tpu.vector_load %arg8[%get3A_387, %get3A_388, %get3A_389] {strides = array<i32>} : memref<4x128x128xf32, #tpu.memory_space<vmem>>, vector<1x1x16xf32>,
        %get3A_391 = vector.shape_cast %get3A_390 : vector<1x1x16xf32> to vector<16xf32>
        %add3A_392 = arith.addf %scan3A_373, %get3A_391 : vector<16xf32>
        %add3A_393 = arith.constant 64 : i32
        %add3A_394 = arith.addi %add3A_393, %scan3A_372 : i32
        %add3A_395 = arith.constant 16 : i32
        %add3A_396 = arith.addi %squeeze3A, %add3A_395 : i32
        %get3A_397 = arith.constant 2 : i32
        %get3A_398 = arith.index_cast %get3A_397 : i32 to index
        %get3A_399 = arith.index_cast %add3A_394 : i32 to index
        %get3A_400 = arith.index_cast %add3A_396 : i32 to index
        %get3A_401 = tpu.vector_load %arg8[%get3A_398, %get3A_399, %get3A_400] {strides = array<i32>} : memref<4x128x128xf32, #tpu.memory_space<vmem>>, vector<1x1x16xf32>,
        %get3A_402 = vector.shape_cast %get3A_401 : vector<1x1x16xf32> to vector<16xf32>
        %add3A_403 = arith.addf %scan3A_374, %get3A_402 : vector<16xf32>
        %add3A_404 = arith.constant 64 : i32
        %add3A_405 = arith.addi %add3A_404, %scan3A_372 : i32
        %add3A_406 = arith.constant 32 : i32
        %add3A_407 = arith.addi %squeeze3A, %add3A_406 : i32
        %get3A_408 = arith.constant 2 : i32
        %get3A_409 = arith.index_cast %get3A_408 : i32 to index
        %get3A_410 = arith.index_cast %add3A_405 : i32 to index
        %get3A_411 = arith.index_cast %add3A_407 : i32 to index
        %get3A_412 = tpu.vector_load %arg8[%get3A_409, %get3A_410, %get3A_411] {strides = array<i32>} : memref<4x128x128xf32, #tpu.memory_space<vmem>>, vector<1x1x16xf32>,
        %get3A_413 = vector.shape_cast %get3A_412 : vector<1x1x16xf32> to vector<16xf32>
        %add3A_414 = arith.addf %scan3A_375, %get3A_413 : vector<16xf32>
        %add3A_415 = arith.constant 64 : i32
        %add3A_416 = arith.addi %add3A_415, %scan3A_372 : i32
        %add3A_417 = arith.constant 48 : i32
        %add3A_418 = arith.addi %squeeze3A, %add3A_417 : i32
        %get3A_419 = arith.constant 2 : i32
        %get3A_420 = arith.index_cast %get3A_419 : i32 to index
        %get3A_421 = arith.index_cast %add3A_416 : i32 to index
        %get3A_422 = arith.index_cast %add3A_418 : i32 to index
        %get3A_423 = tpu.vector_load %arg8[%get3A_420, %get3A_421, %get3A_422] {strides = array<i32>} : memref<4x128x128xf32, #tpu.memory_space<vmem>>, vector<1x1x16xf32>,
        %get3A_424 = vector.shape_cast %get3A_423 : vector<1x1x16xf32> to vector<16xf32>
        %add3A_425 = arith.addf %scan3A_376, %get3A_424 : vector<16xf32>
        scf.yield %add3A_392, %add3A_403, %add3A_414, %add3A_425 : vector<16xf32>, vector<16xf32>, vector<16xf32>, vector<16xf32>
      }
      %scan3A_262 = arith.constant 50 : i32
      %swap3A_263 = arith.index_cast %add3A_226 : i32 to index
      %swap3A_264 = arith.constant 64 : index
      %swap3A_265 = tpu.vector_load %arg9[%swap3A_263, %swap3A_264] {strides = array<i32>} : memref<64x128xf32, #tpu.memory_space<vmem>>, vector<1x16xf32>,
      %swap3A_266 = vector.shape_cast %swap3A_265 : vector<1x16xf32> to vector<16xf32>
      %swap3A_267 = vector.shape_cast %scan3A_261#0 : vector<16xf32> to vector<1x16xf32>
      tpu.vector_store %arg9[%swap3A_263, %swap3A_264], %swap3A_267 {strides = array<i32>} : memref<64x128xf32, #tpu.memory_space<vmem>>, vector<1x16xf32>,
      %swap3A_268 = arith.index_cast %add3A_226 : i32 to index
      %swap3A_269 = arith.constant 80 : index
      %swap3A_270 = tpu.vector_load %arg9[%swap3A_268, %swap3A_269] {strides = array<i32>} : memref<64x128xf32, #tpu.memory_space<vmem>>, vector<1x16xf32>,
      %swap3A_271 = vector.shape_cast %swap3A_270 : vector<1x16xf32> to vector<16xf32>
      %swap3A_272 = vector.shape_cast %scan3A_261#1 : vector<16xf32> to vector<1x16xf32>
      tpu.vector_store %arg9[%swap3A_268, %swap3A_269], %swap3A_272 {strides = array<i32>} : memref<64x128xf32, #tpu.memory_space<vmem>>, vector<1x16xf32>,
      %swap3A_273 = arith.index_cast %add3A_226 : i32 to index
      %swap3A_274 = arith.constant 96 : index
      %swap3A_275 = tpu.vector_load %arg9[%swap3A_273, %swap3A_274] {strides = array<i32>} : memref<64x128xf32, #tpu.memory_space<vmem>>, vector<1x16xf32>,
      %swap3A_276 = vector.shape_cast %swap3A_275 : vector<1x16xf32> to vector<16xf32>
      %swap3A_277 = vector.shape_cast %scan3A_261#2 : vector<16xf32> to vector<1x16xf32>
      tpu.vector_store %arg9[%swap3A_273, %swap3A_274], %swap3A_277 {strides = array<i32>} : memref<64x128xf32, #tpu.memory_space<vmem>>, vector<1x16xf32>,
      %swap3A_278 = arith.index_cast %add3A_226 : i32 to index
      %swap3A_279 = arith.constant 112 : index
      %swap3A_280 = tpu.vector_load %arg9[%swap3A_278, %swap3A_279] {strides = array<i32>} : memref<64x128xf32, #tpu.memory_space<vmem>>, vector<1x16xf32>,
      %swap3A_281 = vector.shape_cast %swap3A_280 : vector<1x16xf32> to vector<16xf32>
      %swap3A_282 = vector.shape_cast %scan3A_261#3 : vector<16xf32> to vector<1x16xf32>
      tpu.vector_store %arg9[%swap3A_278, %swap3A_279], %swap3A_282 {strides = array<i32>} : memref<64x128xf32, #tpu.memory_space<vmem>>, vector<1x16xf32>,
      %add3A_283 = arith.constant 2 : i32
      %add3A_284 = arith.addi %mul3A_57, %add3A_283 : i32
      %add3A_285 = arith.constant 4 : i32
      %add3A_286 = arith.addi %add3A_284, %add3A_285 : i32
      %lt3A_287 = arith.constant 64 : i32
      %lt3A_288 = arith.cmpi slt, %add3A_286, %lt3A_287 : i32
      %convert_element_type3A_289 = arith.extui %lt3A_288 : i1 to i32
      %cond3A_290 = arith.constant 0 : i32
      %cond3A_291 = arith.cmpi ne, %convert_element_type3A_289, %cond3A_290 : i32
      scf.if %cond3A_291 {
        %dma_start3A_372 = arith.constant 2 : i32
        %dma_start3A_373 = arith.constant 0 : i32
        %dma_start3A_374 = arith.constant 0 : i32
        %dma_start3A_375 = tpu.memref_slice %arg8[%dma_start3A_372, %dma_start3A_373, %dma_start3A_374] : memref<4x128x128xf32, #tpu.memory_space<vmem>> -> memref<1x128x128xf32, #tpu.memory_space<vmem>>
        %dma_start3A_376 = tpu.memref_squeeze %dma_start3A_375 : memref<1x128x128xf32, #tpu.memory_space<vmem>> -> memref<128x128xf32, #tpu.memory_space<vmem>>
        %dma_start3A_377 = arith.constant 0 : i32
        %dma_start3A_378 = tpu.memref_slice %arg6[%add3A_286, %dma_start3A_377] : memref<64x128xi32, #tpu.memory_space<vmem>> -> memref<1x128xi32, #tpu.memory_space<vmem>>
        %dma_start3A_379 = tpu.memref_squeeze %dma_start3A_378 : memref<1x128xi32, #tpu.memory_space<vmem>> -> memref<128xi32, #tpu.memory_space<vmem>>
        %dma_start3A_380 = arith.constant 0 : i32
        %dma_start3A_381 = arith.constant 0 : i32
        %dma_start3A_382 = tpu.memref_slice %arg2[%dma_start3A_380, %dma_start3A_381] : memref<500000x128xf32, #tpu.memory_space<hbm>> -> memref<500000x128xf32, #tpu.memory_space<hbm>>
        tpu.enqueue_indirect_dma source(%dma_start3A_382 : memref<500000x128xf32, #tpu.memory_space<hbm>>) target(%dma_start3A_376 : memref<128x128xf32, #tpu.memory_space<vmem>>) offsets(%dma_start3A_379 : memref<128xi32, #tpu.memory_space<vmem>>) semaphore(%arg12 : memref<!tpu.dma_semaphore, #tpu.memory_space<semaphore_mem>>)
      } else {
      }
      %add3A_292 = arith.constant 3 : i32
      %add3A_293 = arith.addi %mul3A_57, %add3A_292 : i32
      %dma_wait3A_294 = arith.constant 3 : i32
      %dma_wait3A_295 = arith.constant 0 : i32
      %dma_wait3A_296 = arith.constant 0 : i32
      %dma_wait3A_297 = tpu.memref_slice %arg8[%dma_wait3A_294, %dma_wait3A_295, %dma_wait3A_296] : memref<4x128x128xf32, #tpu.memory_space<vmem>> -> memref<1x128x128xf32, #tpu.memory_space<vmem>>
      %dma_wait3A_298 = tpu.memref_squeeze %dma_wait3A_297 : memref<1x128x128xf32, #tpu.memory_space<vmem>> -> memref<128x128xf32, #tpu.memory_space<vmem>>
      %dma_wait3A_299 = arith.constant 0 : i32
      %dma_wait3A_300 = tpu.memref_slice %arg6[%add3A_293, %dma_wait3A_299] : memref<64x128xi32, #tpu.memory_space<vmem>> -> memref<1x128xi32, #tpu.memory_space<vmem>>
      %dma_wait3A_301 = tpu.memref_squeeze %dma_wait3A_300 : memref<1x128xi32, #tpu.memory_space<vmem>> -> memref<128xi32, #tpu.memory_space<vmem>>
      %dma_wait3A_302 = arith.constant 0 : i32
      %dma_wait3A_303 = arith.constant 0 : i32
      %dma_wait3A_304 = tpu.memref_slice %arg2[%dma_wait3A_302, %dma_wait3A_303] : memref<500000x128xf32, #tpu.memory_space<hbm>> -> memref<500000x128xf32, #tpu.memory_space<hbm>>
      tpu.wait_indirect_dma semaphore(%arg13 : memref<!tpu.dma_semaphore, #tpu.memory_space<semaphore_mem>>) src(%dma_wait3A_304 : memref<500000x128xf32, #tpu.memory_space<hbm>>) dst(%dma_wait3A_298 : memref<128x128xf32, #tpu.memory_space<vmem>>)
      %add3A_305 = arith.constant 3 : i32
      %add3A_306 = arith.addi %mul3A_57, %add3A_305 : i32
      %broadcast_in_dim3A_307 = arith.constant 0.000000e+00 : f32
      %broadcast_in_dim3A_308 = vector.broadcast %broadcast_in_dim3A_307 : f32 to vector<16xf32>
      %scan3A_309 = arith.constant 0 : i32
      %scan3A_310 = arith.constant 50 : i32
      %scan3A_311 = arith.addi %scan3A_309, %scan3A_310 : i32
      %scan3A_312 = arith.constant 1 : i32
      %scan3A_313:4 = scf.for %scan3A_372 = %scan3A_309 to %scan3A_311 step %scan3A_312 iter_args(%scan3A_373 = %broadcast_in_dim3A_308, %scan3A_374 = %broadcast_in_dim3A_308, %scan3A_375 = %broadcast_in_dim3A_308, %scan3A_376 = %broadcast_in_dim3A_308) -> (vector<16xf32>, vector<16xf32>, vector<16xf32>, vector<16xf32>)  : i32 {
        %add3A_377 = arith.constant 0 : i32
        %add3A_378 = arith.addi %add3A_377, %scan3A_372 : i32
        %get3A = arith.index_cast %add3A_306 : i32 to index
        %get3A_379 = arith.index_cast %add3A_378 : i32 to index
        %get3A_380 = tpu.vector_load %arg7[%get3A, %get3A_379] {strides = array<i32>} : memref<64x128xi32, #tpu.memory_space<vmem>>, vector<1x1xi32>,
        %get3A_381 = vector.shape_cast %get3A_380 : vector<1x1xi32> to vector<1xi32>
        %squeeze3A = vector.extract %get3A_381[0] : i32 from vector<1xi32>
        %add3A_382 = arith.constant 0 : i32
        %add3A_383 = arith.addi %add3A_382, %scan3A_372 : i32
        %add3A_384 = arith.constant 0 : i32
        %add3A_385 = arith.addi %squeeze3A, %add3A_384 : i32
        %get3A_386 = arith.constant 3 : i32
        %get3A_387 = arith.index_cast %get3A_386 : i32 to index
        %get3A_388 = arith.index_cast %add3A_383 : i32 to index
        %get3A_389 = arith.index_cast %add3A_385 : i32 to index
        %get3A_390 = tpu.vector_load %arg8[%get3A_387, %get3A_388, %get3A_389] {strides = array<i32>} : memref<4x128x128xf32, #tpu.memory_space<vmem>>, vector<1x1x16xf32>,
        %get3A_391 = vector.shape_cast %get3A_390 : vector<1x1x16xf32> to vector<16xf32>
        %add3A_392 = arith.addf %scan3A_373, %get3A_391 : vector<16xf32>
        %add3A_393 = arith.constant 0 : i32
        %add3A_394 = arith.addi %add3A_393, %scan3A_372 : i32
        %add3A_395 = arith.constant 16 : i32
        %add3A_396 = arith.addi %squeeze3A, %add3A_395 : i32
        %get3A_397 = arith.constant 3 : i32
        %get3A_398 = arith.index_cast %get3A_397 : i32 to index
        %get3A_399 = arith.index_cast %add3A_394 : i32 to index
        %get3A_400 = arith.index_cast %add3A_396 : i32 to index
        %get3A_401 = tpu.vector_load %arg8[%get3A_398, %get3A_399, %get3A_400] {strides = array<i32>} : memref<4x128x128xf32, #tpu.memory_space<vmem>>, vector<1x1x16xf32>,
        %get3A_402 = vector.shape_cast %get3A_401 : vector<1x1x16xf32> to vector<16xf32>
        %add3A_403 = arith.addf %scan3A_374, %get3A_402 : vector<16xf32>
        %add3A_404 = arith.constant 0 : i32
        %add3A_405 = arith.addi %add3A_404, %scan3A_372 : i32
        %add3A_406 = arith.constant 32 : i32
        %add3A_407 = arith.addi %squeeze3A, %add3A_406 : i32
        %get3A_408 = arith.constant 3 : i32
        %get3A_409 = arith.index_cast %get3A_408 : i32 to index
        %get3A_410 = arith.index_cast %add3A_405 : i32 to index
        %get3A_411 = arith.index_cast %add3A_407 : i32 to index
        %get3A_412 = tpu.vector_load %arg8[%get3A_409, %get3A_410, %get3A_411] {strides = array<i32>} : memref<4x128x128xf32, #tpu.memory_space<vmem>>, vector<1x1x16xf32>,
        %get3A_413 = vector.shape_cast %get3A_412 : vector<1x1x16xf32> to vector<16xf32>
        %add3A_414 = arith.addf %scan3A_375, %get3A_413 : vector<16xf32>
        %add3A_415 = arith.constant 0 : i32
        %add3A_416 = arith.addi %add3A_415, %scan3A_372 : i32
        %add3A_417 = arith.constant 48 : i32
        %add3A_418 = arith.addi %squeeze3A, %add3A_417 : i32
        %get3A_419 = arith.constant 3 : i32
        %get3A_420 = arith.index_cast %get3A_419 : i32 to index
        %get3A_421 = arith.index_cast %add3A_416 : i32 to index
        %get3A_422 = arith.index_cast %add3A_418 : i32 to index
        %get3A_423 = tpu.vector_load %arg8[%get3A_420, %get3A_421, %get3A_422] {strides = array<i32>} : memref<4x128x128xf32, #tpu.memory_space<vmem>>, vector<1x1x16xf32>,
        %get3A_424 = vector.shape_cast %get3A_423 : vector<1x1x16xf32> to vector<16xf32>
        %add3A_425 = arith.addf %scan3A_376, %get3A_424 : vector<16xf32>
        scf.yield %add3A_392, %add3A_403, %add3A_414, %add3A_425 : vector<16xf32>, vector<16xf32>, vector<16xf32>, vector<16xf32>
      }
      %scan3A_314 = arith.constant 50 : i32
      %swap3A_315 = arith.index_cast %add3A_306 : i32 to index
      %swap3A_316 = arith.constant 0 : index
      %swap3A_317 = tpu.vector_load %arg9[%swap3A_315, %swap3A_316] {strides = array<i32>} : memref<64x128xf32, #tpu.memory_space<vmem>>, vector<1x16xf32>,
      %swap3A_318 = vector.shape_cast %swap3A_317 : vector<1x16xf32> to vector<16xf32>
      %swap3A_319 = vector.shape_cast %scan3A_313#0 : vector<16xf32> to vector<1x16xf32>
      tpu.vector_store %arg9[%swap3A_315, %swap3A_316], %swap3A_319 {strides = array<i32>} : memref<64x128xf32, #tpu.memory_space<vmem>>, vector<1x16xf32>,
      %swap3A_320 = arith.index_cast %add3A_306 : i32 to index
      %swap3A_321 = arith.constant 16 : index
      %swap3A_322 = tpu.vector_load %arg9[%swap3A_320, %swap3A_321] {strides = array<i32>} : memref<64x128xf32, #tpu.memory_space<vmem>>, vector<1x16xf32>,
      %swap3A_323 = vector.shape_cast %swap3A_322 : vector<1x16xf32> to vector<16xf32>
      %swap3A_324 = vector.shape_cast %scan3A_313#1 : vector<16xf32> to vector<1x16xf32>
      tpu.vector_store %arg9[%swap3A_320, %swap3A_321], %swap3A_324 {strides = array<i32>} : memref<64x128xf32, #tpu.memory_space<vmem>>, vector<1x16xf32>,
      %swap3A_325 = arith.index_cast %add3A_306 : i32 to index
      %swap3A_326 = arith.constant 32 : index
      %swap3A_327 = tpu.vector_load %arg9[%swap3A_325, %swap3A_326] {strides = array<i32>} : memref<64x128xf32, #tpu.memory_space<vmem>>, vector<1x16xf32>,
      %swap3A_328 = vector.shape_cast %swap3A_327 : vector<1x16xf32> to vector<16xf32>
      %swap3A_329 = vector.shape_cast %scan3A_313#2 : vector<16xf32> to vector<1x16xf32>
      tpu.vector_store %arg9[%swap3A_325, %swap3A_326], %swap3A_329 {strides = array<i32>} : memref<64x128xf32, #tpu.memory_space<vmem>>, vector<1x16xf32>,
      %swap3A_330 = arith.index_cast %add3A_306 : i32 to index
      %swap3A_331 = arith.constant 48 : index
      %swap3A_332 = tpu.vector_load %arg9[%swap3A_330, %swap3A_331] {strides = array<i32>} : memref<64x128xf32, #tpu.memory_space<vmem>>, vector<1x16xf32>,
      %swap3A_333 = vector.shape_cast %swap3A_332 : vector<1x16xf32> to vector<16xf32>
      %swap3A_334 = vector.shape_cast %scan3A_313#3 : vector<16xf32> to vector<1x16xf32>
      tpu.vector_store %arg9[%swap3A_330, %swap3A_331], %swap3A_334 {strides = array<i32>} : memref<64x128xf32, #tpu.memory_space<vmem>>, vector<1x16xf32>,
      %broadcast_in_dim3A_335 = arith.constant 0.000000e+00 : f32
      %broadcast_in_dim3A_336 = vector.broadcast %broadcast_in_dim3A_335 : f32 to vector<16xf32>
      %scan3A_337 = arith.constant 0 : i32
      %scan3A_338 = arith.constant 50 : i32
      %scan3A_339 = arith.addi %scan3A_337, %scan3A_338 : i32
      %scan3A_340 = arith.constant 1 : i32
      %scan3A_341:4 = scf.for %scan3A_372 = %scan3A_337 to %scan3A_339 step %scan3A_340 iter_args(%scan3A_373 = %broadcast_in_dim3A_336, %scan3A_374 = %broadcast_in_dim3A_336, %scan3A_375 = %broadcast_in_dim3A_336, %scan3A_376 = %broadcast_in_dim3A_336) -> (vector<16xf32>, vector<16xf32>, vector<16xf32>, vector<16xf32>)  : i32 {
        %add3A_377 = arith.constant 64 : i32
        %add3A_378 = arith.addi %add3A_377, %scan3A_372 : i32
        %get3A = arith.index_cast %add3A_306 : i32 to index
        %get3A_379 = arith.index_cast %add3A_378 : i32 to index
        %get3A_380 = tpu.vector_load %arg7[%get3A, %get3A_379] {strides = array<i32>} : memref<64x128xi32, #tpu.memory_space<vmem>>, vector<1x1xi32>,
        %get3A_381 = vector.shape_cast %get3A_380 : vector<1x1xi32> to vector<1xi32>
        %squeeze3A = vector.extract %get3A_381[0] : i32 from vector<1xi32>
        %add3A_382 = arith.constant 64 : i32
        %add3A_383 = arith.addi %add3A_382, %scan3A_372 : i32
        %add3A_384 = arith.constant 0 : i32
        %add3A_385 = arith.addi %squeeze3A, %add3A_384 : i32
        %get3A_386 = arith.constant 3 : i32
        %get3A_387 = arith.index_cast %get3A_386 : i32 to index
        %get3A_388 = arith.index_cast %add3A_383 : i32 to index
        %get3A_389 = arith.index_cast %add3A_385 : i32 to index
        %get3A_390 = tpu.vector_load %arg8[%get3A_387, %get3A_388, %get3A_389] {strides = array<i32>} : memref<4x128x128xf32, #tpu.memory_space<vmem>>, vector<1x1x16xf32>,
        %get3A_391 = vector.shape_cast %get3A_390 : vector<1x1x16xf32> to vector<16xf32>
        %add3A_392 = arith.addf %scan3A_373, %get3A_391 : vector<16xf32>
        %add3A_393 = arith.constant 64 : i32
        %add3A_394 = arith.addi %add3A_393, %scan3A_372 : i32
        %add3A_395 = arith.constant 16 : i32
        %add3A_396 = arith.addi %squeeze3A, %add3A_395 : i32
        %get3A_397 = arith.constant 3 : i32
        %get3A_398 = arith.index_cast %get3A_397 : i32 to index
        %get3A_399 = arith.index_cast %add3A_394 : i32 to index
        %get3A_400 = arith.index_cast %add3A_396 : i32 to index
        %get3A_401 = tpu.vector_load %arg8[%get3A_398, %get3A_399, %get3A_400] {strides = array<i32>} : memref<4x128x128xf32, #tpu.memory_space<vmem>>, vector<1x1x16xf32>,
        %get3A_402 = vector.shape_cast %get3A_401 : vector<1x1x16xf32> to vector<16xf32>
        %add3A_403 = arith.addf %scan3A_374, %get3A_402 : vector<16xf32>
        %add3A_404 = arith.constant 64 : i32
        %add3A_405 = arith.addi %add3A_404, %scan3A_372 : i32
        %add3A_406 = arith.constant 32 : i32
        %add3A_407 = arith.addi %squeeze3A, %add3A_406 : i32
        %get3A_408 = arith.constant 3 : i32
        %get3A_409 = arith.index_cast %get3A_408 : i32 to index
        %get3A_410 = arith.index_cast %add3A_405 : i32 to index
        %get3A_411 = arith.index_cast %add3A_407 : i32 to index
        %get3A_412 = tpu.vector_load %arg8[%get3A_409, %get3A_410, %get3A_411] {strides = array<i32>} : memref<4x128x128xf32, #tpu.memory_space<vmem>>, vector<1x1x16xf32>,
        %get3A_413 = vector.shape_cast %get3A_412 : vector<1x1x16xf32> to vector<16xf32>
        %add3A_414 = arith.addf %scan3A_375, %get3A_413 : vector<16xf32>
        %add3A_415 = arith.constant 64 : i32
        %add3A_416 = arith.addi %add3A_415, %scan3A_372 : i32
        %add3A_417 = arith.constant 48 : i32
        %add3A_418 = arith.addi %squeeze3A, %add3A_417 : i32
        %get3A_419 = arith.constant 3 : i32
        %get3A_420 = arith.index_cast %get3A_419 : i32 to index
        %get3A_421 = arith.index_cast %add3A_416 : i32 to index
        %get3A_422 = arith.index_cast %add3A_418 : i32 to index
        %get3A_423 = tpu.vector_load %arg8[%get3A_420, %get3A_421, %get3A_422] {strides = array<i32>} : memref<4x128x128xf32, #tpu.memory_space<vmem>>, vector<1x1x16xf32>,
        %get3A_424 = vector.shape_cast %get3A_423 : vector<1x1x16xf32> to vector<16xf32>
        %add3A_425 = arith.addf %scan3A_376, %get3A_424 : vector<16xf32>
        scf.yield %add3A_392, %add3A_403, %add3A_414, %add3A_425 : vector<16xf32>, vector<16xf32>, vector<16xf32>, vector<16xf32>
      }
      %scan3A_342 = arith.constant 50 : i32
      %swap3A_343 = arith.index_cast %add3A_306 : i32 to index
      %swap3A_344 = arith.constant 64 : index
      %swap3A_345 = tpu.vector_load %arg9[%swap3A_343, %swap3A_344] {strides = array<i32>} : memref<64x128xf32, #tpu.memory_space<vmem>>, vector<1x16xf32>,
      %swap3A_346 = vector.shape_cast %swap3A_345 : vector<1x16xf32> to vector<16xf32>
      %swap3A_347 = vector.shape_cast %scan3A_341#0 : vector<16xf32> to vector<1x16xf32>
      tpu.vector_store %arg9[%swap3A_343, %swap3A_344], %swap3A_347 {strides = array<i32>} : memref<64x128xf32, #tpu.memory_space<vmem>>, vector<1x16xf32>,
      %swap3A_348 = arith.index_cast %add3A_306 : i32 to index
      %swap3A_349 = arith.constant 80 : index
      %swap3A_350 = tpu.vector_load %arg9[%swap3A_348, %swap3A_349] {strides = array<i32>} : memref<64x128xf32, #tpu.memory_space<vmem>>, vector<1x16xf32>,
      %swap3A_351 = vector.shape_cast %swap3A_350 : vector<1x16xf32> to vector<16xf32>
      %swap3A_352 = vector.shape_cast %scan3A_341#1 : vector<16xf32> to vector<1x16xf32>
      tpu.vector_store %arg9[%swap3A_348, %swap3A_349], %swap3A_352 {strides = array<i32>} : memref<64x128xf32, #tpu.memory_space<vmem>>, vector<1x16xf32>,
      %swap3A_353 = arith.index_cast %add3A_306 : i32 to index
      %swap3A_354 = arith.constant 96 : index
      %swap3A_355 = tpu.vector_load %arg9[%swap3A_353, %swap3A_354] {strides = array<i32>} : memref<64x128xf32, #tpu.memory_space<vmem>>, vector<1x16xf32>,
      %swap3A_356 = vector.shape_cast %swap3A_355 : vector<1x16xf32> to vector<16xf32>
      %swap3A_357 = vector.shape_cast %scan3A_341#2 : vector<16xf32> to vector<1x16xf32>
      tpu.vector_store %arg9[%swap3A_353, %swap3A_354], %swap3A_357 {strides = array<i32>} : memref<64x128xf32, #tpu.memory_space<vmem>>, vector<1x16xf32>,
      %swap3A_358 = arith.index_cast %add3A_306 : i32 to index
      %swap3A_359 = arith.constant 112 : index
      %swap3A_360 = tpu.vector_load %arg9[%swap3A_358, %swap3A_359] {strides = array<i32>} : memref<64x128xf32, #tpu.memory_space<vmem>>, vector<1x16xf32>,
      %swap3A_361 = vector.shape_cast %swap3A_360 : vector<1x16xf32> to vector<16xf32>
      %swap3A_362 = vector.shape_cast %scan3A_341#3 : vector<16xf32> to vector<1x16xf32>
      tpu.vector_store %arg9[%swap3A_358, %swap3A_359], %swap3A_362 {strides = array<i32>} : memref<64x128xf32, #tpu.memory_space<vmem>>, vector<1x16xf32>,
      %add3A_363 = arith.constant 3 : i32
      %add3A_364 = arith.addi %mul3A_57, %add3A_363 : i32
      %add3A_365 = arith.constant 4 : i32
      %add3A_366 = arith.addi %add3A_364, %add3A_365 : i32
      %lt3A_367 = arith.constant 64 : i32
      %lt3A_368 = arith.cmpi slt, %add3A_366, %lt3A_367 : i32
      %convert_element_type3A_369 = arith.extui %lt3A_368 : i1 to i32
      %cond3A_370 = arith.constant 0 : i32
      %cond3A_371 = arith.cmpi ne, %convert_element_type3A_369, %cond3A_370 : i32
      scf.if %cond3A_371 {
        %dma_start3A_372 = arith.constant 3 : i32
        %dma_start3A_373 = arith.constant 0 : i32
        %dma_start3A_374 = arith.constant 0 : i32
        %dma_start3A_375 = tpu.memref_slice %arg8[%dma_start3A_372, %dma_start3A_373, %dma_start3A_374] : memref<4x128x128xf32, #tpu.memory_space<vmem>> -> memref<1x128x128xf32, #tpu.memory_space<vmem>>
        %dma_start3A_376 = tpu.memref_squeeze %dma_start3A_375 : memref<1x128x128xf32, #tpu.memory_space<vmem>> -> memref<128x128xf32, #tpu.memory_space<vmem>>
        %dma_start3A_377 = arith.constant 0 : i32
        %dma_start3A_378 = tpu.memref_slice %arg6[%add3A_366, %dma_start3A_377] : memref<64x128xi32, #tpu.memory_space<vmem>> -> memref<1x128xi32, #tpu.memory_space<vmem>>
        %dma_start3A_379 = tpu.memref_squeeze %dma_start3A_378 : memref<1x128xi32, #tpu.memory_space<vmem>> -> memref<128xi32, #tpu.memory_space<vmem>>
        %dma_start3A_380 = arith.constant 0 : i32
        %dma_start3A_381 = arith.constant 0 : i32
        %dma_start3A_382 = tpu.memref_slice %arg2[%dma_start3A_380, %dma_start3A_381] : memref<500000x128xf32, #tpu.memory_space<hbm>> -> memref<500000x128xf32, #tpu.memory_space<hbm>>
        tpu.enqueue_indirect_dma source(%dma_start3A_382 : memref<500000x128xf32, #tpu.memory_space<hbm>>) target(%dma_start3A_376 : memref<128x128xf32, #tpu.memory_space<vmem>>) offsets(%dma_start3A_379 : memref<128xi32, #tpu.memory_space<vmem>>) semaphore(%arg13 : memref<!tpu.dma_semaphore, #tpu.memory_space<semaphore_mem>>)
      } else {
      }
    }
    %scan3A_54 = arith.constant 16 : i32
    "tpu.region"() ({
      %run_scoped3A = tpu.sem_alloc : memref<!tpu.dma_semaphore, #tpu.memory_space<semaphore_mem>>
      %dma_start3A_55 = arith.constant 0 : i32
      %dma_start3A_56 = tpu.memref_slice %arg5[%mul3A_2, %dma_start3A_55] : memref<2048x128xf32, #tpu.memory_space<hbm>> -> memref<64x128xf32, #tpu.memory_space<hbm>>
      %dma_start3A_57 = arith.constant 0 : i32
      %dma_start3A_58 = tpu.memref_slice %arg5[%mul3A_2, %dma_start3A_57] : memref<2048x128xf32, #tpu.memory_space<hbm>> -> memref<64x128xf32, #tpu.memory_space<hbm>>
      tpu.enqueue_dma source(%arg9 : memref<64x128xf32, #tpu.memory_space<vmem>>) target(%dma_start3A_58 : memref<64x128xf32, #tpu.memory_space<hbm>>) target_semaphore(%run_scoped3A : memref<!tpu.dma_semaphore, #tpu.memory_space<semaphore_mem>>)
      %dma_wait3A = arith.constant 0 : i32
      %dma_wait3A_59 = tpu.memref_slice %arg5[%mul3A_2, %dma_wait3A] : memref<2048x128xf32, #tpu.memory_space<hbm>> -> memref<64x128xf32, #tpu.memory_space<hbm>>
      %dma_wait3A_60 = arith.constant 0 : i32
      %dma_wait3A_61 = tpu.memref_slice %arg5[%mul3A_2, %dma_wait3A_60] : memref<2048x128xf32, #tpu.memory_space<hbm>> -> memref<64x128xf32, #tpu.memory_space<hbm>>
      tpu.wait_dma2 semaphore(%run_scoped3A : memref<!tpu.dma_semaphore, #tpu.memory_space<semaphore_mem>>) src(%arg9 : memref<64x128xf32, #tpu.memory_space<vmem>>) dst(%dma_wait3A_61 : memref<64x128xf32, #tpu.memory_space<hbm>>)
      tpu.yield
    }) : () -> ()
    return
  }
}

module attributes {stable_mosaic.version = 14 : i64} {
  func.func @_tc_body(%arg0: i32, %arg1: memref<1024x50xi32, #tpu.memory_space<vmem>>, %arg2: memref<1024x64xf32, #tpu.memory_space<vmem>>, %arg3: memref<64x64xf32, #tpu.memory_space<vmem>>, %arg4: memref<1x64xf32, #tpu.memory_space<vmem>>, %arg5: memref<64x64xf32, #tpu.memory_space<vmem>>, %arg6: memref<1x64xf32, #tpu.memory_space<vmem>>, %arg7: memref<1024x64xf32, #tpu.memory_space<vmem>>) attributes {dimension_semantics = [#tpu.dimension_semantics<arbitrary>], iteration_bounds = array<i64: 4>, scalar_prefetch = 0 : i64, scratch_operands = 0 : i64, tpu.core_type = #tpu.core_type<tc>, window_params = [{transform_indices = @transform_0, window_bounds = array<i64: 1024, 50>}, {transform_indices = @transform_1, window_bounds = array<i64: 1024, 64>}, {pipeline_mode = #tpu.pipeline_mode<synchronous>, transform_indices = @transform_2, window_bounds = array<i64: 64, 64>}, {pipeline_mode = #tpu.pipeline_mode<synchronous>, transform_indices = @transform_3, window_bounds = array<i64: 1, 64>}, {pipeline_mode = #tpu.pipeline_mode<synchronous>, transform_indices = @transform_4, window_bounds = array<i64: 64, 64>}, {pipeline_mode = #tpu.pipeline_mode<synchronous>, transform_indices = @transform_5, window_bounds = array<i64: 1, 64>}, {transform_indices = @transform_6, window_bounds = array<i64: 1024, 64>}]} {
    %get3A = arith.constant 0 : index
    %get3A_0 = arith.constant 0 : index
    %get3A_1 = vector.load %arg1[%get3A, %get3A_0] : memref<1024x50xi32, #tpu.memory_space<vmem>>, vector<1024x50xi32>
    %ne3A = arith.constant 0 : i32
    %ne3A_2 = vector.broadcast %ne3A : i32 to vector<1024x50xi32>
    %ne3A_3 = arith.cmpi ne, %get3A_1, %ne3A_2 : vector<1024x50xi32>
    %convert_element_type3A = arith.extui %ne3A_3 : vector<1024x50xi1> to vector<1024x50xi32>
    %convert_element_type3A_4 = arith.sitofp %convert_element_type3A : vector<1024x50xi32> to vector<1024x50xf32>
    %reduce_sum3A = arith.constant dense<0.000000e+00> : vector<1024xf32>
    %reduce_sum3A_5 = vector.multi_reduction <add>, %convert_element_type3A_4, %reduce_sum3A [1] : vector<1024x50xf32> to vector<1024xf32>
    %broadcast_in_dim3A = vector.shape_cast %reduce_sum3A_5 : vector<1024xf32> to vector<1024x1xf32>
    %get3A_6 = arith.constant 0 : index
    %get3A_7 = arith.constant 0 : index
    %get3A_8 = vector.load %arg2[%get3A_6, %get3A_7] : memref<1024x64xf32, #tpu.memory_space<vmem>>, vector<1024x64xf32>
    %max3A = arith.constant 1.000000e+00 : f32
    %max3A_9 = vector.broadcast %max3A : f32 to vector<1024x1xf32>
    %max3A_10 = arith.maximumf %broadcast_in_dim3A, %max3A_9 : vector<1024x1xf32>
    %div3A = vector.broadcast %max3A_10 : vector<1024x1xf32> to vector<1024x64xf32>
    %div3A_11 = arith.divf %get3A_8, %div3A : vector<1024x64xf32>
    %get3A_12 = arith.constant 0 : index
    %get3A_13 = arith.constant 0 : index
    %get3A_14 = vector.load %arg3[%get3A_12, %get3A_13] : memref<64x64xf32, #tpu.memory_space<vmem>>, vector<64x64xf32>
    %dot_general3A = arith.constant dense<0.000000e+00> : vector<1024x64xf32>
    %dot_general3A_15 = tpu.matmul %div3A_11, %get3A_14, %dot_general3A {dimension_numbers = #tpu.dot_dimension_numbers<[1], [1], [0], [0], [0, 0, 1, 0], [], []>, transpose_lhs_hint = false} : vector<1024x64xf32>, vector<64x64xf32>, vector<1024x64xf32> -> vector<1024x64xf32>
    %get3A_16 = arith.constant 0 : index
    %get3A_17 = arith.constant 0 : index
    %get3A_18 = vector.load %arg4[%get3A_16, %get3A_17] : memref<1x64xf32, #tpu.memory_space<vmem>>, vector<1x64xf32>
    %add3A = vector.broadcast %get3A_18 : vector<1x64xf32> to vector<1024x64xf32>
    %add3A_19 = arith.addf %dot_general3A_15, %add3A : vector<1024x64xf32>
    %max3A_20 = arith.constant 0.000000e+00 : f32
    %max3A_21 = vector.broadcast %max3A_20 : f32 to vector<1024x64xf32>
    %max3A_22 = arith.maximumf %add3A_19, %max3A_21 : vector<1024x64xf32>
    %get3A_23 = arith.constant 0 : index
    %get3A_24 = arith.constant 0 : index
    %get3A_25 = vector.load %arg5[%get3A_23, %get3A_24] : memref<64x64xf32, #tpu.memory_space<vmem>>, vector<64x64xf32>
    %dot_general3A_26 = arith.constant dense<0.000000e+00> : vector<1024x64xf32>
    %dot_general3A_27 = tpu.matmul %max3A_22, %get3A_25, %dot_general3A_26 {dimension_numbers = #tpu.dot_dimension_numbers<[1], [1], [0], [0], [0, 0, 1, 0], [], []>, transpose_lhs_hint = false} : vector<1024x64xf32>, vector<64x64xf32>, vector<1024x64xf32> -> vector<1024x64xf32>
    %get3A_28 = arith.constant 0 : index
    %get3A_29 = arith.constant 0 : index
    %get3A_30 = vector.load %arg6[%get3A_28, %get3A_29] : memref<1x64xf32, #tpu.memory_space<vmem>>, vector<1x64xf32>
    %add3A_31 = vector.broadcast %get3A_30 : vector<1x64xf32> to vector<1024x64xf32>
    %add3A_32 = arith.addf %dot_general3A_27, %add3A_31 : vector<1024x64xf32>
    %mul3A = arith.mulf %add3A_32, %add3A_32 : vector<1024x64xf32>
    %reduce_sum3A_33 = arith.constant dense<0.000000e+00> : vector<1024xf32>
    %reduce_sum3A_34 = vector.multi_reduction <add>, %mul3A, %reduce_sum3A_33 [1] : vector<1024x64xf32> to vector<1024xf32>
    %broadcast_in_dim3A_35 = vector.shape_cast %reduce_sum3A_34 : vector<1024xf32> to vector<1024x1xf32>
    %sqrt3A = math.sqrt %broadcast_in_dim3A_35 : vector<1024x1xf32>
    %max3A_36 = arith.constant 9.99999996E-13 : f32
    %max3A_37 = vector.broadcast %max3A_36 : f32 to vector<1024x1xf32>
    %max3A_38 = arith.maximumf %sqrt3A, %max3A_37 : vector<1024x1xf32>
    %div3A_39 = vector.broadcast %max3A_38 : vector<1024x1xf32> to vector<1024x64xf32>
    %div3A_40 = arith.divf %add3A_32, %div3A_39 : vector<1024x64xf32>
    %swap3A = arith.constant 0 : index
    %swap3A_41 = arith.constant 0 : index
    %swap3A_42 = vector.load %arg7[%swap3A, %swap3A_41] : memref<1024x64xf32, #tpu.memory_space<vmem>>, vector<1024x64xf32>
    tpu.vector_store %arg7[%swap3A, %swap3A_41], %div3A_40 {strides = array<i32>} : memref<1024x64xf32, #tpu.memory_space<vmem>>, vector<1024x64xf32>,
    return
  }
  func.func @transform_0(%arg0: i32) -> (i32, i32) {
    %c0_i32 = arith.constant 0 : i32
    %c0_i32_0 = arith.constant 0 : i32
    return %arg0, %c0_i32 : i32, i32
  }
  func.func @transform_1(%arg0: i32) -> (i32, i32) {
    %c0_i32 = arith.constant 0 : i32
    %c0_i32_0 = arith.constant 0 : i32
    return %arg0, %c0_i32 : i32, i32
  }
  func.func @transform_2(%arg0: i32) -> (i32, i32) {
    %c0_i32 = arith.constant 0 : i32
    %c0_i32_0 = arith.constant 0 : i32
    %c0_i32_1 = arith.constant 0 : i32
    return %c0_i32, %c0_i32_0 : i32, i32
  }
  func.func @transform_3(%arg0: i32) -> (i32, i32) {
    %c0_i32 = arith.constant 0 : i32
    %c0_i32_0 = arith.constant 0 : i32
    %c0_i32_1 = arith.constant 0 : i32
    return %c0_i32, %c0_i32_0 : i32, i32
  }
  func.func @transform_4(%arg0: i32) -> (i32, i32) {
    %c0_i32 = arith.constant 0 : i32
    %c0_i32_0 = arith.constant 0 : i32
    %c0_i32_1 = arith.constant 0 : i32
    return %c0_i32, %c0_i32_0 : i32, i32
  }
  func.func @transform_5(%arg0: i32) -> (i32, i32) {
    %c0_i32 = arith.constant 0 : i32
    %c0_i32_0 = arith.constant 0 : i32
    %c0_i32_1 = arith.constant 0 : i32
    return %c0_i32, %c0_i32_0 : i32, i32
  }
  func.func @transform_6(%arg0: i32) -> (i32, i32) {
    %c0_i32 = arith.constant 0 : i32
    %c0_i32_0 = arith.constant 0 : i32
    return %arg0, %c0_i32 : i32, i32
  }
}

</mosaic_0001>

<sc_bundles>
// kernel: kernel.4.cloned.1.call-start
scs
__scs_entry_jumppad:
0x0: {  	(pc) =	sbr.rel $0x88, $3  }
0x1: {  	(tag) =	ssettag $0x0;
	lr =	simm.s32 $0x1  }
0x2: {  	[smem:$0x3F9B] =	sst lr;
	_ =	strace $0xD0000000  }
0x3: {  	_ = 	snop  }
0x4: {  	_ = 	snop  }
0x5: {  	_ = 	snop  }
0x6: {  	_ = 	snop  }
0x7: {  	_ = 	snop  }
__scs_overlays_trampoline_lowered:
0x8: {  	[smem:$0x3FAA] =	sst s0  }
0x9: {  	[smem:$0x3FAB] =	sst s1  }
0xa: {  	[smem:$0x3FAC] =	sst s2  }
0xb: {  	[smem:$0x3FAD] =	sst s3  }
0xc: {  	[smem:$0x3FAE] =	sst s4  }
0xd: {  	[smem:$0x3FAF] =	sst s5  }
0xe: {  	[smem:$0x3FB0] =	sst s6  }
0xf: {  	[smem:$0x3FB1] =	sst s7  }
0x10: {  	[smem:$0x3FB2] =	sst s8  }
0x11: {  	[smem:$0x3FB3] =	sst s9;
	s0 =	simm.s32 @!p0 $0x0  }
0x12: {  	s1 =	sld [smem:$0x3F99];
	s0 =	simm.s32 @p0 $0x1  }
0x13: {  	[smem:$0x3FB4] =	sst s0;
	s0 =	simm.s32 @!p1 $0x0  }
0x14: {  	s2 =	sld [smem:$0x3F98];
	s0 =	simm.s32 @p1 $0x1  }
0x15: {  	[smem:$0x3FB5] =	sst s0;
	s0 =	simm.s32 @!p2 $0x0  }
0x16: {  	s3 =	sld [smem:$0x3FDB];
	s0 =	simm.s32 @p2 $0x1  }
0x17: {  	s4 =	simm.s32 $0x1BF5;
	[smem:$0x3FB7] =	sst s0  }
0x18: {  	s0 =	sld [smem:$0x3F9A];
	_ =	swait.ge [sflag:s4], $0x0  }
0x19: {  	s7 =	sld [smem:$0x3F9B]  }
0x1a: {  	s8 =	sadd.s32 $0xFFFFE003, lr  }
0x1b: {  	s9 =	sadd.s32 $0xFFFFFEF7, lr;
	s5 =	simm.s32 $0xFFFFFFFF;
	p2 =	slt.u32 s8, $0xFFFFF086  }
0x1c: {  	p1 =	slt.u32 s9, $0xF7A;
	s5 =	simm.s32 @!p2 $0x0  }
0x1d: {  	s5 =	simm.s32 @p1 $0x1;
	p0 =	seq.s32 s7, s2  }
0x1e: {  	s7 =	smul.u32 @!p0 $0xF7A, s2;
	p2 =	seq.s32 @!p0 s5, $0x0  }
0x1f: {  	s9 =	smul.u32 $0xF7A, s1;
	s8 =	simm.s32 @!p0 $0x1BF5;
	p2 =	por !p2, p0  }
0x20: {  	[sflag:s8] =	ssyncset.s32 @!p0 $0xFFFFF086;
	s6 =	sadd.s32 @!p0 s3, s7;
	s7 =	simm.s32 @!p0 $0x108  }
0x21: {  	s3 =	sadd.s32 s3, s9;
	s6 =	sadd.s32 @!p0 $0x88, s6;
	s7 =	simm.s32 @p2 $0x1082  }
0x22: {  	[simem:s7], [sflag:s8] =	dma.local @!p0 [hbm:s6], $0xF7A  }
0x23: {  	s9 =	sor.u32 $0xD0000000, s2;
	s6 =	simm.s32 $0x108;
	_ =	swait.ge @!p0 [sflag:s8], $0x0  }
0x24: {  	s3 =	sadd.s32 $0x88, s3;
	s6 =	simm.s32 @!p1 $0x1082;
	[sflag:s4] =	ssyncset.s32 $0xFFFFF086  }
0x25: {  	[simem:s6], [sflag:s4] =	dma.local [hbm:s3], $0xF7A  }
0x26: {  	[smem:$0x3F9B] =	sst s1;
	(tag) =	ssettag s2;
	_ =	strace s9  }
0x27: {  	s1 =	sld [smem:$0x3FAB]  }
0x28: {  	s2 =	sld [smem:$0x3FAC]  }
0x29: {  	s4 =	sld [smem:$0x3FAE]  }
0x2a: {  	p0 =	seq.s32 s5, $0x0;
	s5 =	sld [smem:$0x3FAF]  }
0x2b: {  	s6 =	sld [smem:$0x3FB0]  }
0x2c: {  	s7 =	sld [smem:$0x3FB1]  }
0x2d: {  	s3 =	simm.s32 $0x108;
	s8 =	sld [smem:$0x3FB2]  }
0x2e: {  	s3 =	simm.s32 @!p0 $0x1082;
	s9 =	sld [smem:$0x3FB3]  }
0x2f: {  	lr =	sadd.s32 s0, s3;
	s0 =	sld [smem:$0x3FAA]  }
0x30: {  	s3 =	sld [smem:$0x3FAD]  }
0x31: {  	[smem:$0x3FB6] =	sst s10  }
0x32: {  	s10 =	sld [smem:$0x3FB4];
	_ =	sdelay $0x3  }
0x33: {  	p0 =	seq.s32 s10, $0x1;
	s10 =	sld [smem:$0x3FB6];
	_ =	sdelay $0x3  }
0x34: {  	[smem:$0x3FB6] =	sst s10  }
0x35: {  	s10 =	sld [smem:$0x3FB5];
	_ =	sdelay $0x3  }
0x36: {  	p1 =	seq.s32 s10, $0x1;
	s10 =	sld [smem:$0x3FB6];
	_ =	sdelay $0x3  }
0x37: {  	[smem:$0x3FB6] =	sst s10  }
0x38: {  	s10 =	sld [smem:$0x3FB7]  }
0x39: {  	_ = 	snop;
	(pc) =	sbr.ind lr, $3  }
0x3a: {  	_ = 	snop  }
0x3b: {  	_ = 	snop  }
0x3c: {  	p2 =	seq.s32 s10, $0x1;
	s10 =	sld [smem:$0x3FB6]  }
0x3d: {  	_ =	shalt  }
0x3e: {  	_ =	shalt  }
0x3f: {  	_ =	shalt  }
0x40: {  	_ =	shalt  }
0x41: {  	_ =	shalt  }
0x42: {  	_ =	shalt  }
0x43: {  	_ =	shalt  }
0x44: {  	_ =	shalt  }
0x45: {  	_ =	shalt  }
0x46: {  	_ =	shalt  }
0x47: {  	_ =	shalt  }
0x48: {  	_ =	shalt  }
0x49: {  	_ =	shalt  }
0x4a: {  	_ =	shalt  }
0x4b: {  	_ =	shalt  }
0x4c: {  	_ =	shalt  }
0x4d: {  	_ =	shalt  }
0x4e: {  	_ =	shalt  }
0x4f: {  	_ =	shalt  }
0x50: {  	_ =	shalt  }
0x51: {  	_ =	shalt  }
0x52: {  	_ =	shalt  }
0x53: {  	_ =	shalt  }
0x54: {  	_ =	shalt  }
0x55: {  	_ =	shalt  }
0x56: {  	_ =	shalt  }
0x57: {  	_ =	shalt  }
0x58: {  	_ =	shalt  }
0x59: {  	_ =	shalt  }
0x5a: {  	_ =	shalt  }
0x5b: {  	_ =	shalt  }
0x5c: {  	_ =	shalt  }
0x5d: {  	_ =	shalt  }
0x5e: {  	_ =	shalt  }
0x5f: {  	_ =	shalt  }
0x60: {  	_ =	shalt  }
0x61: {  	_ =	shalt  }
0x62: {  	_ =	shalt  }
0x63: {  	_ =	shalt  }
0x64: {  	_ =	shalt  }
0x65: {  	_ =	shalt  }
0x66: {  	_ =	shalt  }
0x67: {  	_ =	shalt  }
0x68: {  	_ =	shalt  }
0x69: {  	_ =	shalt  }
0x6a: {  	_ =	shalt  }
0x6b: {  	_ =	shalt  }
0x6c: {  	_ =	shalt  }
0x6d: {  	_ =	shalt  }
0x6e: {  	_ =	shalt  }
0x6f: {  	_ =	shalt  }
0x70: {  	_ =	shalt  }
0x71: {  	_ =	shalt  }
0x72: {  	_ =	shalt  }
0x73: {  	_ =	shalt  }
0x74: {  	_ =	shalt  }
0x75: {  	_ =	shalt  }
0x76: {  	_ =	shalt  }
0x77: {  	_ =	shalt  }
0x78: {  	_ =	shalt  }
0x79: {  	_ =	shalt  }
0x7a: {  	_ =	shalt  }
0x7b: {  	_ =	shalt  }
0x7c: {  	_ =	shalt  }
0x7d: {  	_ =	shalt  }
0x7e: {  	_ =	shalt  }
0x7f: {  	_ =	shalt  }
0x80: {  	_ =	shalt  }
0x81: {  	_ =	shalt  }
0x82: {  	_ =	shalt  }
0x83: {  	_ =	shalt  }
0x84: {  	_ =	shalt  }
0x85: {  	_ =	shalt  }
0x86: {  	_ =	shalt  }
0x87: {  	_ =	shalt  }
.Lfunc_end0:
.L_simem_size_0:
called_computation_lowered:
.L_overlay_start_0:
0x88: {  	s2 =	sld [smem:$0x3FD9]  }
0x89: {  	s3 =	sld [smem:$0x3FFE];
	_ =	sdelay $0x1  }
0x8a: {  	s1 =	srdreg.scid  }
0x8b: {  	s0 =	sand.u32 $0x1, s1  }
0x8c: {  	s17 =	sshll.u32 s0, $0xA;
	s2 =	sadd.s32 s3, s2  }
0x8d: {  	s2 =	sadd.s32 s2, s17  }
0x8e: {  	[smem:$0x3FC2] =	sst s2  }
0x8f: {  	_ = 	snop  }
0x90: {  	s2 =	sld [smem:$0x3FD0];
	(tm) =	ssettm $0x1  }
0x91: {  	s18 =	sld [smem:$0x3FFB];
	_ =	sdelay $0x3  }
0x92: {  	_ =	strace s18  }
0x93: {  	s3 =	sld [smem:$0x3FFC];
	_ =	sdelay $0x3  }
0x94: {  	_ =	strace s3  }
0x95: {  	s3 =	sld [smem:$0x3FFD];
	_ =	sdelay $0x3  }
0x96: {  	_ =	strace s3  }
0x97: {  	_ =	strace $0x8FFFFFFF  }
0x98: {  	s19 =	sld [smem:$0x3FDB];
	_ =	sdelay $0x1  }
0x99: {  	s4 =	simm.s32 $_scs_section_size  }
0x9a: {  	s5 =	simm.s32 $_size__tile_overlayer_lowered;
	s6 =	simm.s32 $_tile_overlayer_lowered  }
0x9b: {  	s22 =	simm.s32 $0x1BFF;
	s21 =	sshll.u32 s6, $0x1;
	s3 =	sadd.s32 s4, s19  }
0x9c: {  	s7 =	simm.s32 $0x0;
	s20 =	sshll.u32 s5, $0x1;
	s5 =	sadd.s32 s21, s3  }
0x9d: {  	[timem:s7], [sflag:s22] =	dma.local [hbm:s5], s20  }
0x9e: {  	_ =	swait.ge [sflag:s22], s20  }
0x9f: {  	s4 =	ssub.s32 $0x0, s20;
	[sflag:s22] =	ssyncset.done $0x0  }
0xa0: {  	[sflag:s22] =	ssyncadd.s32 s4;
	_ =	sdelay $0x1  }
0xa1: {  	s23 =	simm.s32 $0x1B8B  }
0xa2: {  	_ =	swait.ge [sflag:s23], $0x1  }
0xa3: {  	[sflag:s23] =	ssyncset.done $0x0  }
0xa4: {  	s25 =	simm.s32 $0x1B8E;
	s24 =	sld [smem:$0x3FFE];
	[sflag:s23] =	ssyncadd.s32 $0xFFFFFFFF  }
0xa5: {  	s26 =	simm.s32 $execute0_lowered;
	[smem:$0x3FD2] =	sst s25  }
0xa6: {  	s5 =	sshll.u32 s26, $0x1;
	_ =	strace $0x80000046;
	[dreg:$0x1] =	wrdreg $0xFFFFFFFF  }
0xa7: {  	s28 =	simm.s32 $_size_execute0_lowered;
	s3 =	sadd.s32 s3, s5;
	[dreg:$0x0] =	wrdreg $0x0  }
0xa8: {  	s5 =	sshll.u32 s28, $0x1;
	[dreg:$0x2] =	wrdreg s3  }
0xa9: {  	[dreg:$0x3] =	wrdreg s5  }
0xaa: {  	[dreg:$0x4] =	wrdreg $0xC0  }
0xab: {  	_ =	task [dreg:s7], $0x5FFFF  }
0xac: {  	[dreg:$0x1] =	wrdreg $0xFFFFFFFF  }
0xad: {  	[dreg:$0x0] =	wrdreg $0x60  }
0xae: {  	[dreg:$0x2] =	wrdreg s24  }
0xaf: {  	[dreg:$0x3] =	wrdreg s2  }
0xb0: {  	[dreg:$0x4] =	wrdreg $0x9  }
0xb1: {  	_ =	task.clear_ibuf [dreg:s7], $0x5FFFF;
	_ =	strace $0x90000046  }
0xb2: {  	s29 =	simm.s32 $0x9;
	_ =	strace $0x80000048  }
0xb3: {  	_ =	swait.ge [sflag:s29], $0x1  }
0xb4: {  	[sflag:s29] =	ssyncadd.s32 $0xFFFFFFFF  }
0xb5: {  	_ =	strace $0x90000048  }
0xb6: {  	_ =	sfence  }
0xb7: {  	s30 =	sld [smem:$0x0];
	_ =	sdelay $0x2  }
0xb8: {  	s31 =	sshll.u32 s1, $0xD;
	s1 =	sshrl.u32 s1, $0x2  }
0xb9: {  	s3 =	sand.u32 $0x4000, s31;
	s1 =	sadd.s32 s1, s30  }
0xba: {  	s0 =	sor.u32 s3, s0;
	s1 =	sshll.u32 s1, $0x11  }
0xbb: {  	s0 =	sor.u32 s1, s0  }
0xbc: {  	s0 =	sadd.s32 $0x8F2B, s0  }
0xbd: {  	[sflag:s0] =	ssyncadd.remote.s32 $0x1  }
0xbe: {  	_ =	sfence.sel $0xFFFF  }
0xbf: {  	[dreg:$0x0] =	wrdreg $0xFFFFFFFF;
	(pc) =	sbr.abs _section_cstart, $3  }
0xc0: {  	[dreg:$0x1] =	wrdreg $0xFFFFFFFF  }
0xc1: {  	_ =	task.clear_ibuf [dreg:s7], $0x2FFFF;
	_ =	strace $0x9FFFFFFF  }
0xc2: {  	(tm) =	ssettm $0x7FFFFFFF  }
0xc3: {  	_ =	shalt  }
tec
execute0_lowered:
.L_overlay_start_1:
0x0: {  	(tag) =	ssettag $0x1  }
0x1: {  	s0 =	rddreg [dreg:$0x0]  }
0x2: {  	s1 =	rddreg [dreg:$0x1];
	s7 =	simm.s32 $0x0;
	s3 =	srdreg.scid  }
0x3: {  	s2 =	stileid.u32;
	s16 =	simm.s32 $0x1;
	s17 =	simm.s32 $0x2  }
0x4: {  	s18 =	simm.s32 $0x3;
	[smem:$0x7FF] =	sst s7;
	s3 =	sand.u32 $0x1, s3  }
0x5: {  	s4 =	sshll.u32 s2, $0xB;
	s5 =	sshll.u32 s3, $0xA;
	s6 =	ssub.s32 $0x2, s3  }
0x6: {  	_ =	strace $0x80000047;
	s3 =	sadd.s32 $0xF4B400, s0;
	s4 =	sor.u32 s5, s4  }
.Ltmp0:
0x7: {  	s0 =	sadd.s32 s4, s0;
	s1 =	sadd.s32 s1, s4;
	(pc) =	sbr.rel .LBB2_1-.Ltmp0, $4  }
0x8: {  	s29 =	sshrl.u32 s6, $0x1;
	[dreg:$0x3] =	wrdreg s1;
	s30 =	sadd.s32 $0x1000, s0  }
0x9: {  	s5 =	ssub.s32 s6, s29;
	s0 =	sadd.s32 $0x9000, s0;
	[dreg:$0x4] =	wrdreg s30  }
0xa: {  	s19 =	simm.s32 $0x4;
	s31 =	smax.u32 s5, $0x1;
	[dreg:$0x5] =	wrdreg s0  }
0xb: {  	s2 =	simm.s32 $0x0;
	s1 =	simm.s32 $0x5;
	[dreg:$0x6] =	wrdreg s31  }
.LBB2_20:
0xc: {  	s7 =	simm.s32 $0x0;
	s0 =	rddreg [dreg:$0x5];
	s1 =	simm.s32 $0x14000  }
0xd: {  	[hbm4b:s0+s7] =	stream.linear.scatter [tilespmem:s1], [sflag:$0x5], $0x2000, $0x38;
	[tilespmem:$0x16000] =	vst v63  }
0xe: {  	s1 =	simm.s32 $0x5  }
0xf: {  	_ =	swait.ge [sflag:s1], $0x2000  }
0x10: {  	s2 =	rddreg [dreg:$0x7]  }
0x11: {  	s31 =	rddreg [dreg:$0x6];
	s2 =	sadd.s32 $0x1, s2  }
0x12: {  	p0 =	sne.s32 s2, s31  }
.Ltmp1:
0x13: {  	_ = 	snop;
	(pc) =	sbr.rel @!p0 .LBB2_21-.Ltmp1, $3  }
0x14: {  	_ =	sdelay $0x1  }
0x15: {  	[sflag:s1] =	ssyncset.done $0x0  }
0x16: {  	[sflag:s1] =	ssyncadd.s32 $0xFFFFE000  }
.LBB2_1:
0x17: {  	[dreg:$0x7] =	wrdreg s2  }
0x18: {  	s0 =	rddreg [dreg:$0x3]  }
0x19: {  	[tilespmem:s7], [sflag:$0x5] =	stream.linear.gather [hbm4b:s0+s7], $0x2000, $0x38;
	[tilespmem:$0x16000] =	vst v63  }
0x1a: {  	_ =	swait.ge [sflag:s1], $0x2000  }
0x1b: {  	[sflag:s1] =	ssyncset.done $0x0  }
0x1c: {  	s22 =	simm.s32 $0x2000;
	s14 =	rddreg [dreg:$0x4];
	[sflag:s1] =	ssyncadd.s32 $0xFFFFE000  }
0x1d: {  	[tilespmem:s22], [sflag:$0x5] =	stream.linear.gather [hbm4b:s14+s7], $0x2000, $0x38;
	[tilespmem:$0x16000] =	vst v63  }
0x1e: {  	_ =	swait.ge [sflag:s1], $0x2000  }
0x1f: {  	s15 =	simm.s32 $0x80;
	[sflag:s1] =	ssyncset.done $0x0  }
0x20: {  	s20 =	simm.s32 $0x4000;
	s21 =	simm.s32 $0x8000;
	[sflag:s1] =	ssyncadd.s32 $0xFFFFE000  }
0x21: {  	[tilespmem:s20], [sflag:$0x1] =	stream.indirect.gather [hbm4b:s3+s15], $0x80, s7, s15, $0xb8;
	[tilespmem:$0x16000] =	vst v63  }
0x22: {  	s23 =	simm.s32 $0x100;
	s24 =	simm.s32 $0xC000;
	s25 =	simm.s32 $0x180  }
0x23: {  	[tilespmem:s21], [sflag:$0x2] =	stream.indirect.gather [hbm4b:s3+s15], $0x80, s15, s15, $0xb8;
	[tilespmem:$0x16000] =	vst v63  }
0x24: {  	s26 =	simm.s32 $0x10000;
	s28 =	simm.s32 $0x2140;
	s29 =	simm.s32 $0x2180  }
0x25: {  	[tilespmem:s24], [sflag:$0x3] =	stream.indirect.gather [hbm4b:s3+s15], $0x80, s23, s15, $0xb8;
	[tilespmem:$0x16000] =	vst v63  }
0x26: {  	s30 =	simm.s32 $0x21C0;
	s31 =	simm.s32 $0x0;
	s23 =	simm.s32 $0x2040  }
0x27: {  	[tilespmem:s26], [sflag:$0x4] =	stream.indirect.gather [hbm4b:s3+s15], $0x80, s25, s15, $0xb8;
	[tilespmem:$0x16000] =	vst v63  }
0x28: {  	s24 =	simm.s32 $0x2080;
	s25 =	simm.s32 $0x20C0;
	s26 =	simm.s32 $0x2100  }
.LBB2_2:
0x29: {  	v7 =	vmov s22;
	_ =	sdelay $0x1  }
0x2a: {  	_ =	swait.ge [sflag:s16], $0x4000  }
0x2b: {  	[sflag:s16] =	ssyncset.done $0x0  }
0x2c: {  	s0 =	simm.s32 $0x0;
	[sflag:s16] =	ssyncadd.s32 $0xFFFFC000  }
0x2d: {  	v0 =	vld.idx.msk [tilespmem:v7+s0+$0x0 ss:$0x1], $0x1;
	_ =	sdelay $0x4  }
0x2e: {  	(v2sf) =	vpush v0, $0x0;
	_ =	sdelay $0x4  }
0x2f: {  	s6 =	simm.s32 $0x1  }
0x30: {  	v0 =	vld.idx.msk [tilespmem:v7+s6+$0x0 ss:$0x1], $0x1;
	_ =	sdelay $0x4  }
0x31: {  	(v2sf) =	vpush v0, $0x0;
	_ =	sdelay $0x3  }
0x32: {  	s1 =	simm.s32 $0x4000;
	s11 =	simm.s32 $0x2;
	s4 =	spop (v2sf)  }
0x33: {  	s0 =	sshll.u32 s31, $0xB;
	v0 =	vld.idx.msk [tilespmem:v7+s11+$0x0 ss:$0x1], $0x1;
	s11 =	simm.s32 $0x10;
	s5 =	sadd.s32 $0x30, s4  }
0x34: {  	s10 =	sadd.s32 $0x10, s4;
	s7 =	sadd.s32 $0x20, s4;
	s14 =	sand.u32 $0x7F, s4  }
0x35: {  	s4 =	sshll.u32 s4, $0x2;
	s6 =	sand.u32 $0x7F, s5;
	s5 =	sshll.u32 s5, $0x2  }
0x36: {  	s12 =	sand.u32 $0x7F, s10;
	s5 =	sand.u32 $0xFFFFFE00, s5;
	s6 =	sshll.u32 s6, $0x2  }
0x37: {  	s10 =	sshll.u32 s10, $0x2;
	s13 =	sand.u32 $0x7F, s7;
	s5 =	sor.u32 s6, s5  }
0x38: {  	s4 =	sand.u32 $0xFFFFFE00, s4;
	s10 =	sand.u32 $0xFFFFFE00, s10;
	s5 =	sshra.s32 s5, $0x2  }
0x39: {  	s9 =	sshll.u32 s13, $0x2;
	s13 =	sshll.u32 s14, $0x2;
	s5 =	sadd.s32 $0x4000, s5  }
0x3a: {  	s8 =	sshll.u32 s12, $0x2;
	s6 =	sshll.u32 s7, $0x2;
	s4 =	sor.u32 s13, s4;
	v2 =	vld [tilespmem:s5+$0x0]  }
0x3b: {  	(v2sf) =	vpush v0, $0x0;
	s10 =	sor.u32 s8, s10;
	s6 =	sand.u32 $0xFFFFFE00, s6;
	s4 =	sshra.s32 s4, $0x2  }
0x3c: {  	s14 =	sshra.s32 s10, $0x2;
	s6 =	sor.u32 s9, s6;
	s15 =	sadd.s32 $0x4000, s4  }
0x3d: {  	s10 =	spop (v2sf);
	s5 =	sadd.s32 $0x4000, s14;
	s6 =	sshra.s32 s6, $0x2;
	v6 =	vld [tilespmem:s15+$0x0]  }
0x3e: {  	v1 =	vimm.f32 $0.0e+00;
	s13 =	simm.s32 $0x3;
	s21 =	sadd.s32 $0x30, s10;
	v4 =	vld [tilespmem:s5+$0x0];
	s20 =	sadd.s32 $0x4000, s6  }
0x3f: {  	v3 =	vimm.f32 $0.0e+00;
	s12 =	sadd.s32 $0x10, s10;
	s4 =	sand.u32 $0x7F, s21;
	s5 =	sshll.u32 s21, $0x2;
	v5 =	vld [tilespmem:s20+$0x0];
	v0 =	vadd.f32 v2, v1;
	v2 =	vimm.f32 $0.0e+00  }
.LBB2_3:
0x40: {  	p0 =	sne.s32 s11, $0xC4;
	s5 =	sand.u32 $0xFFFFFE00, s5  }
0x41: {  	v8 =	vld.idx.msk [tilespmem:v7+s13+$0x0 ss:$0x1], $0x1;
	s4 =	sshll.u32 s4, $0x2;
	s6 =	sand.u32 $0x7F, s12;
	s13 =	sadd.s32 $0x20, s10  }
0x42: {  	s1 =	sadd.s32 $0x80, s1;
	s14 =	sand.u32 $0x7F, s10;
	s4 =	sor.u32 s4, s5  }
0x43: {  	s10 =	sshll.u32 s10, $0x2;
	s5 =	sshll.u32 s12, $0x2;
	s4 =	sshra.s32 s4, $0x2;
	v1 =	vadd.f32 v4, v1  }
0x44: {  	s12 =	sand.u32 $0x7F, s13;
	s13 =	sshll.u32 s13, $0x2;
	s4 =	sadd.s32 s4, s1;
	v2 =	vadd.f32 v5, v2  }
0x45: {  	s10 =	sand.u32 $0xFFFFFE00, s10;
	s5 =	sand.u32 $0xFFFFFE00, s5;
	s12 =	sshll.u32 s12, $0x2;
	v5 =	vld [tilespmem:s4+$0x0];
	v3 =	vadd.f32 v6, v3  }
0x46: {  	s4 =	sshll.u32 s6, $0x2;
	s6 =	sand.u32 $0xFFFFFE00, s13;
	s13 =	sshll.u32 s14, $0x2  }
0x47: {  	s4 =	sor.u32 s4, s5;
	s5 =	sor.u32 s13, s10;
	(v2sf) =	vpush v8, $0x0  }
.Ltmp2:
0x48: {  	s6 =	sor.u32 s12, s6;
	s4 =	sshra.s32 s4, $0x2;
	(pc) =	sbr.rel @p0 .LBB2_3-.Ltmp2, $4  }
0x49: {  	s5 =	sshra.s32 s5, $0x2;
	s6 =	sshra.s32 s6, $0x2;
	s4 =	sadd.s32 s4, s1  }
0x4a: {  	s14 =	sadd.s32 s5, s1;
	s10 =	spop (v2sf);
	v4 =	vld [tilespmem:s4+$0x0];
	s4 =	sadd.s32 s6, s1;
	v0 =	vadd.f32 v5, v0  }
0x4b: {  	s13 =	sshra.s32 s11, $0x2;
	s12 =	sadd.s32 $0x10, s10;
	s5 =	sadd.s32 $0x30, s10;
	v5 =	vld [tilespmem:s4+$0x0]  }
0x4c: {  	s11 =	sadd.s32 $0x4, s11;
	s4 =	sand.u32 $0x7F, s5;
	s5 =	sshll.u32 s5, $0x2;
	v6 =	vld [tilespmem:s14+$0x0]  }
0x4d: {  	_ =	sdelay $0x3  }
0x4e: {  	v7 =	vld.idx.msk [tilespmem:v7+s13+$0x0 ss:$0x1], $0x1;
	s5 =	sand.u32 $0xFFFFFE00, s5  }
0x4f: {  	s4 =	sshll.u32 s4, $0x2;
	s6 =	sand.u32 $0x7F, s12;
	s8 =	sadd.s32 $0x20, s10  }
0x50: {  	s11 =	sshll.u32 s12, $0x2;
	s1 =	sadd.s32 $0x80, s1;
	s14 =	sand.u32 $0x7F, s10  }
0x51: {  	s15 =	sshll.u32 s10, $0x2;
	s4 =	sor.u32 s4, s5;
	s9 =	sand.u32 $0x7F, s8  }
0x52: {  	s5 =	sshll.u32 s8, $0x2;
	s11 =	sand.u32 $0xFFFFFE00, s11;
	s6 =	sshll.u32 s6, $0x2  }
0x53: {  	s10 =	sand.u32 $0xFFFFFE00, s15;
	s13 =	sshll.u32 s14, $0x2;
	s4 =	sshra.s32 s4, $0x2;
	(v2sf) =	vpush v7, $0x0  }
0x54: {  	s5 =	sand.u32 $0xFFFFFE00, s5;
	s6 =	sor.u32 s6, s11;
	s20 =	sshll.u32 s9, $0x2  }
0x55: {  	s10 =	sor.u32 s13, s10;
	s4 =	sadd.s32 s4, s1;
	s6 =	sshra.s32 s6, $0x2  }
0x56: {  	s5 =	sor.u32 s20, s5;
	s10 =	sshra.s32 s10, $0x2;
	s6 =	sadd.s32 s6, s1  }
0x57: {  	s5 =	sshra.s32 s5, $0x2;
	s10 =	sadd.s32 s10, s1;
	s21 =	spop (v2sf)  }
0x58: {  	s5 =	sadd.s32 s5, s1;
	s1 =	sadd.s32 $0x80, s1;
	s8 =	sadd.s32 $0x30, s21  }
0x59: {  	s14 =	sadd.s32 $0x10, s21;
	s15 =	sadd.s32 $0x20, s21;
	s2 =	sand.u32 $0x7F, s21  }
0x5a: {  	s11 =	sshll.u32 s21, $0x2;
	s9 =	sand.u32 $0x7F, s8;
	s12 =	sshll.u32 s8, $0x2  }
0x5b: {  	s20 =	sand.u32 $0x7F, s14;
	s14 =	sshll.u32 s14, $0x2;
	s7 =	sand.u32 $0x7F, s15  }
0x5c: {  	s11 =	sand.u32 $0xFFFFFE00, s11;
	s2 =	sshll.u32 s2, $0x2;
	s12 =	sand.u32 $0xFFFFFE00, s12  }
0x5d: {  	s13 =	sshll.u32 s9, $0x2;
	s14 =	sand.u32 $0xFFFFFE00, s14;
	s20 =	sshll.u32 s20, $0x2  }
0x5e: {  	s7 =	sshll.u32 s7, $0x2;
	s2 =	sor.u32 s2, s11;
	s12 =	sor.u32 s13, s12  }
0x5f: {  	s13 =	sshll.u32 s15, $0x2;
	s14 =	sor.u32 s20, s14;
	s2 =	sshra.s32 s2, $0x2  }
0x60: {  	s12 =	sshra.s32 s12, $0x2;
	s13 =	sand.u32 $0xFFFFFE00, s13;
	s20 =	sshra.s32 s14, $0x2  }
0x61: {  	s2 =	sadd.s32 s2, s1;
	s12 =	sadd.s32 s12, s1;
	s7 =	sor.u32 s7, s13  }
0x62: {  	s11 =	sadd.s32 s20, s1;
	s7 =	sshra.s32 s7, $0x2;
	s13 =	spop (v2sf)  }
0x63: {  	s7 =	sadd.s32 s7, s1;
	s1 =	sadd.s32 $0x80, s1;
	s21 =	sadd.s32 $0x30, s13  }
0x64: {  	v7 =	vld [tilespmem:s4+$0x0];
	s9 =	sadd.s32 $0x10, s13;
	s8 =	sshll.u32 s21, $0x2;
	s14 =	sand.u32 $0x7F, s21  }
0x65: {  	v8 =	vld [tilespmem:s6+$0x0];
	s15 =	sand.u32 $0x7F, s9;
	s4 =	sshll.u32 s9, $0x2;
	s21 =	sand.u32 $0x7F, s13  }
0x66: {  	v10 =	vld [tilespmem:s10+$0x0];
	s20 =	sand.u32 $0xFFFFFE00, s8;
	s6 =	sshll.u32 s14, $0x2;
	s8 =	sadd.s32 $0x20, s13  }
0x67: {  	v9 =	vld [tilespmem:s5+$0x0];
	s13 =	sshll.u32 s13, $0x2;
	s5 =	sshll.u32 s21, $0x2;
	s4 =	sand.u32 $0xFFFFFE00, s4  }
0x68: {  	v13 =	vld [tilespmem:s2+$0x0];
	s14 =	sshll.u32 s15, $0x2;
	s9 =	sand.u32 $0xFFFFFE00, s13;
	s13 =	sand.u32 $0x7F, s8  }
0x69: {  	v11 =	vld [tilespmem:s12+$0x0];
	s8 =	sshll.u32 s8, $0x2;
	s4 =	sor.u32 s14, s4;
	s5 =	sor.u32 s5, s9  }
0x6a: {  	v12 =	vld [tilespmem:s11+$0x0];
	s8 =	sand.u32 $0xFFFFFE00, s8;
	s15 =	sshll.u32 s13, $0x2;
	s4 =	sshra.s32 s4, $0x2  }
0x6b: {  	v1 =	vadd.f32 v4, v1;
	v3 =	vadd.f32 v6, v3;
	v6 =	vld [tilespmem:s7+$0x0];
	s5 =	sshra.s32 s5, $0x2;
	s2 =	sor.u32 s15, s8;
	s4 =	sadd.s32 s4, s1  }
0x6c: {  	v2 =	vadd.f32 v5, v2;
	s6 =	sor.u32 s6, s20;
	s5 =	sadd.s32 s5, s1;
	s2 =	sshra.s32 s2, $0x2;
	v5 =	vld [tilespmem:s4+$0x0]  }
0x6d: {  	v1 =	vadd.f32 v8, v1;
	s21 =	sshra.s32 s6, $0x2;
	v4 =	vld [tilespmem:s5+$0x0];
	s2 =	sadd.s32 s2, s1  }
0x6e: {  	v3 =	vadd.f32 v10, v3;
	s1 =	sadd.s32 s21, s1;
	v8 =	vld [tilespmem:s2+$0x0]  }
0x6f: {  	v2 =	vadd.f32 v9, v2;
	v1 =	vadd.f32 v12, v1;
	v63 =	vld [tilespmem:s1+$0x0]  }
0x70: {  	v0 =	vadd.f32 v7, v0;
	v3 =	vadd.f32 v13, v3  }
0x71: {  	v2 =	vadd.f32 v6, v2;
	v1 =	vadd.f32 v5, v1  }
0x72: {  	s10 =	sshll.u32 s31, $0x9;
	v0 =	vadd.f32 v11, v0;
	v6 =	vmov s23;
	v3 =	vadd.f32 v4, v3  }
0x73: {  	v2 =	vadd.f32 v8, v2;
	[tilespmem:s10+$0x14010] =	vst v1  }
0x74: {  	v0 =	vadd.f32 v63, v0;
	[tilespmem:s10+$0x14000] =	vst v3  }
0x75: {  	[tilespmem:s10+$0x14020] =	vst v2  }
0x76: {  	s6 =	simm.s32 $0x0;
	[tilespmem:s10+$0x14030] =	vst v0  }
0x77: {  	v0 =	vld.idx.msk [tilespmem:v6+s6+$0x0 ss:$0x1], $0x1;
	_ =	sdelay $0x4  }
0x78: {  	(v2sf) =	vpush v0, $0x0;
	_ =	sdelay $0x4  }
0x79: {  	s7 =	simm.s32 $0x1  }
0x7a: {  	v0 =	vld.idx.msk [tilespmem:v6+s7+$0x0 ss:$0x1], $0x1;
	_ =	sdelay $0x4  }
0x7b: {  	(v2sf) =	vpush v0, $0x0;
	_ =	sdelay $0x3  }
0x7c: {  	s13 =	simm.s32 $0x2;
	s8 =	spop (v2sf)  }
0x7d: {  	s1 =	simm.s32 $0x6000;
	s9 =	sadd.s32 $0x30, s8;
	s12 =	sadd.s32 $0x10, s8  }
0x7e: {  	s15 =	sadd.s32 $0x20, s8;
	s21 =	sand.u32 $0x7F, s8;
	s2 =	sshll.u32 s8, $0x2  }
0x7f: {  	s11 =	sand.u32 $0x7F, s9;
	s4 =	sshll.u32 s9, $0x2;
	s14 =	sand.u32 $0x7F, s12  }
0x80: {  	v0 =	vld.idx.msk [tilespmem:v6+s13+$0x0 ss:$0x1], $0x1;
	s6 =	sshll.u32 s12, $0x2;
	s4 =	sand.u32 $0xFFFFFE00, s4;
	s5 =	sshll.u32 s11, $0x2  }
0x81: {  	s20 =	sand.u32 $0x7F, s15;
	s2 =	sand.u32 $0xFFFFFE00, s2;
	s4 =	sor.u32 s5, s4  }
0x82: {  	s12 =	simm.s32 $0x10;
	s6 =	sand.u32 $0xFFFFFE00, s6;
	s4 =	sshra.s32 s4, $0x2  }
0x83: {  	s9 =	sshll.u32 s14, $0x2;
	s14 =	sshll.u32 s21, $0x2;
	s4 =	sadd.s32 $0x6000, s4  }
0x84: {  	s13 =	sshll.u32 s20, $0x2;
	s5 =	sshll.u32 s15, $0x2;
	s2 =	sor.u32 s14, s2;
	v2 =	vld [tilespmem:s4+$0x0]  }
0x85: {  	(v2sf) =	vpush v0, $0x0;
	s6 =	sor.u32 s9, s6;
	s5 =	sand.u32 $0xFFFFFE00, s5;
	s2 =	sshra.s32 s2, $0x2  }
0x86: {  	s15 =	sshra.s32 s6, $0x2;
	s5 =	sor.u32 s13, s5;
	s2 =	sadd.s32 $0x6000, s2  }
0x87: {  	s11 =	spop (v2sf);
	s4 =	sadd.s32 $0x6000, s15;
	s5 =	sshra.s32 s5, $0x2;
	v7 =	vld [tilespmem:s2+$0x0]  }
0x88: {  	v1 =	vimm.f32 $0.0e+00;
	s14 =	simm.s32 $0x3;
	s21 =	sadd.s32 $0x30, s11;
	v4 =	vld [tilespmem:s4+$0x0];
	s20 =	sadd.s32 $0x6000, s5  }
0x89: {  	v3 =	vimm.f32 $0.0e+00;
	s13 =	sadd.s32 $0x10, s11;
	s4 =	sand.u32 $0x7F, s21;
	s5 =	sshll.u32 s21, $0x2;
	v5 =	vld [tilespmem:s20+$0x0];
	v0 =	vadd.f32 v2, v1;
	v2 =	vimm.f32 $0.0e+00  }
.LBB2_5:
0x8a: {  	p0 =	sne.s32 s12, $0xC4;
	s2 =	sand.u32 $0xFFFFFE00, s5  }
0x8b: {  	v8 =	vld.idx.msk [tilespmem:v6+s14+$0x0 ss:$0x1], $0x1;
	s4 =	sshll.u32 s4, $0x2;
	s5 =	sand.u32 $0x7F, s13;
	s6 =	sadd.s32 $0x20, s11  }
0x8c: {  	s1 =	sadd.s32 $0x80, s1;
	s8 =	sand.u32 $0x7F, s11;
	s2 =	sor.u32 s4, s2  }
0x8d: {  	s11 =	sshll.u32 s11, $0x2;
	s4 =	sshll.u32 s13, $0x2;
	s2 =	sshra.s32 s2, $0x2;
	v1 =	vadd.f32 v4, v1  }
0x8e: {  	s7 =	sand.u32 $0x7F, s6;
	s6 =	sshll.u32 s6, $0x2;
	s2 =	sadd.s32 s2, s1;
	v2 =	vadd.f32 v5, v2  }
0x8f: {  	s8 =	sshll.u32 s8, $0x2;
	s4 =	sand.u32 $0xFFFFFE00, s4;
	v5 =	vld [tilespmem:s2+$0x0];
	v3 =	vadd.f32 v7, v3;
	s2 =	sshll.u32 s5, $0x2  }
0x90: {  	s5 =	sand.u32 $0xFFFFFE00, s6;
	s6 =	sshll.u32 s7, $0x2;
	s7 =	sand.u32 $0xFFFFFE00, s11  }
0x91: {  	s2 =	sor.u32 s2, s4;
	s4 =	sor.u32 s8, s7;
	(v2sf) =	vpush v8, $0x0  }
.Ltmp3:
0x92: {  	s5 =	sor.u32 s6, s5;
	s2 =	sshra.s32 s2, $0x2;
	(pc) =	sbr.rel @p0 .LBB2_5-.Ltmp3, $4  }
0x93: {  	s4 =	sshra.s32 s4, $0x2;
	s5 =	sshra.s32 s5, $0x2;
	s2 =	sadd.s32 s2, s1  }
0x94: {  	s6 =	sadd.s32 s4, s1;
	s11 =	spop (v2sf);
	v4 =	vld [tilespmem:s2+$0x0];
	s2 =	sadd.s32 s5, s1;
	v0 =	vadd.f32 v5, v0  }
0x95: {  	s14 =	sshra.s32 s12, $0x2;
	s13 =	sadd.s32 $0x10, s11;
	s5 =	sadd.s32 $0x30, s11;
	v5 =	vld [tilespmem:s2+$0x0]  }
0x96: {  	s12 =	sadd.s32 $0x4, s12;
	s4 =	sand.u32 $0x7F, s5;
	s5 =	sshll.u32 s5, $0x2;
	v7 =	vld [tilespmem:s6+$0x0]  }
0x97: {  	_ =	sdelay $0x3  }
0x98: {  	v6 =	vld.idx.msk [tilespmem:v6+s14+$0x0 ss:$0x1], $0x1;
	s2 =	sand.u32 $0xFFFFFE00, s5  }
0x99: {  	s4 =	sshll.u32 s4, $0x2;
	s15 =	sand.u32 $0x7F, s13;
	s20 =	sadd.s32 $0x20, s11  }
0x9a: {  	s6 =	sshll.u32 s13, $0x2;
	s1 =	sadd.s32 $0x80, s1;
	s8 =	sand.u32 $0x7F, s11  }
0x9b: {  	s21 =	sshll.u32 s11, $0x2;
	s2 =	sor.u32 s4, s2;
	s7 =	sand.u32 $0x7F, s20  }
0x9c: {  	s4 =	sshll.u32 s20, $0x2;
	s6 =	sand.u32 $0xFFFFFE00, s6;
	s5 =	sshll.u32 s15, $0x2  }
0x9d: {  	s11 =	sand.u32 $0xFFFFFE00, s21;
	s8 =	sshll.u32 s8, $0x2;
	s2 =	sshra.s32 s2, $0x2;
	(v2sf) =	vpush v6, $0x0  }
0x9e: {  	s4 =	sand.u32 $0xFFFFFE00, s4;
	s5 =	sor.u32 s5, s6;
	s9 =	sshll.u32 s7, $0x2  }
0x9f: {  	s11 =	sor.u32 s8, s11;
	s2 =	sadd.s32 s2, s1;
	s5 =	sshra.s32 s5, $0x2  }
0xa0: {  	s4 =	sor.u32 s9, s4;
	s12 =	sshra.s32 s11, $0x2;
	s5 =	sadd.s32 s5, s1  }
0xa1: {  	s4 =	sshra.s32 s4, $0x2;
	s6 =	sadd.s32 s12, s1;
	s7 =	spop (v2sf)  }
0xa2: {  	s4 =	sadd.s32 s4, s1;
	s1 =	sadd.s32 $0x80, s1;
	s13 =	sadd.s32 $0x30, s7  }
0xa3: {  	s12 =	sadd.s32 $0x10, s7;
	s21 =	sadd.s32 $0x20, s7;
	s20 =	sand.u32 $0x7F, s7  }
0xa4: {  	s7 =	sshll.u32 s7, $0x2;
	s14 =	sand.u32 $0x7F, s13;
	s8 =	sshll.u32 s13, $0x2  }
0xa5: {  	s15 =	sand.u32 $0x7F, s12;
	s12 =	sshll.u32 s12, $0x2;
	s9 =	sand.u32 $0x7F, s21  }
0xa6: {  	s7 =	sand.u32 $0xFFFFFE00, s7;
	s20 =	sshll.u32 s20, $0x2;
	s8 =	sand.u32 $0xFFFFFE00, s8  }
0xa7: {  	s11 =	sshll.u32 s14, $0x2;
	s12 =	sand.u32 $0xFFFFFE00, s12;
	s13 =	sshll.u32 s15, $0x2  }
0xa8: {  	s15 =	sshll.u32 s9, $0x2;
	s7 =	sor.u32 s20, s7;
	s8 =	sor.u32 s11, s8  }
0xa9: {  	s11 =	sshll.u32 s21, $0x2;
	s12 =	sor.u32 s13, s12;
	s7 =	sshra.s32 s7, $0x2  }
0xaa: {  	s8 =	sshra.s32 s8, $0x2;
	s11 =	sand.u32 $0xFFFFFE00, s11;
	s12 =	sshra.s32 s12, $0x2  }
0xab: {  	s7 =	sadd.s32 s7, s1;
	s8 =	sadd.s32 s8, s1;
	s11 =	sor.u32 s15, s11  }
0xac: {  	s12 =	sadd.s32 s12, s1;
	s11 =	sshra.s32 s11, $0x2;
	s13 =	spop (v2sf)  }
0xad: {  	s11 =	sadd.s32 s11, s1;
	s1 =	sadd.s32 $0x80, s1;
	s21 =	sadd.s32 $0x30, s13  }
0xae: {  	v6 =	vld [tilespmem:s2+$0x0];
	s15 =	sadd.s32 $0x10, s13;
	s9 =	sshll.u32 s21, $0x2;
	s14 =	sand.u32 $0x7F, s21  }
0xaf: {  	v8 =	vld [tilespmem:s5+$0x0];
	s21 =	sadd.s32 $0x20, s13;
	s2 =	sshll.u32 s15, $0x2;
	s20 =	sand.u32 $0xFFFFFE00, s9  }
0xb0: {  	v9 =	vld [tilespmem:s4+$0x0];
	s5 =	sshll.u32 s14, $0x2;
	s14 =	sand.u32 $0x7F, s15;
	s4 =	sand.u32 $0x7F, s21  }
0xb1: {  	v10 =	vld [tilespmem:s6+$0x0];
	s6 =	sshll.u32 s21, $0x2;
	s9 =	sand.u32 $0x7F, s13;
	s13 =	sshll.u32 s13, $0x2  }
0xb2: {  	v13 =	vld [tilespmem:s7+$0x0];
	s2 =	sand.u32 $0xFFFFFE00, s2;
	s15 =	sand.u32 $0xFFFFFE00, s13;
	s9 =	sshll.u32 s9, $0x2  }
0xb3: {  	v11 =	vld [tilespmem:s8+$0x0];
	s14 =	sshll.u32 s14, $0x2;
	s6 =	sand.u32 $0xFFFFFE00, s6;
	s8 =	sor.u32 s9, s15  }
0xb4: {  	v12 =	vld [tilespmem:s12+$0x0];
	s4 =	sshll.u32 s4, $0x2;
	s2 =	sor.u32 s14, s2;
	s15 =	sshra.s32 s8, $0x2  }
0xb5: {  	v3 =	vadd.f32 v7, v3;
	v7 =	vld [tilespmem:s11+$0x0];
	s4 =	sor.u32 s4, s6;
	s2 =	sshra.s32 s2, $0x2;
	s21 =	sadd.s32 s15, s1  }
0xb6: {  	v1 =	vadd.f32 v4, v1;
	s5 =	sor.u32 s5, s20;
	s4 =	sshra.s32 s4, $0x2;
	s2 =	sadd.s32 s2, s1;
	v4 =	vld [tilespmem:s21+$0x0]  }
0xb7: {  	v2 =	vadd.f32 v5, v2;
	v3 =	vadd.f32 v10, v3;
	s5 =	sshra.s32 s5, $0x2;
	s4 =	sadd.s32 s4, s1;
	v5 =	vld [tilespmem:s2+$0x0]  }
0xb8: {  	v1 =	vadd.f32 v8, v1;
	s1 =	sadd.s32 s5, s1;
	v8 =	vld [tilespmem:s4+$0x0]  }
0xb9: {  	v2 =	vadd.f32 v9, v2;
	v3 =	vadd.f32 v13, v3;
	v63 =	vld [tilespmem:s1+$0x0]  }
0xba: {  	v0 =	vadd.f32 v6, v0;
	v1 =	vadd.f32 v12, v1  }
0xbb: {  	v2 =	vadd.f32 v7, v2;
	v3 =	vadd.f32 v4, v3  }
0xbc: {  	v0 =	vadd.f32 v11, v0;
	v1 =	vadd.f32 v5, v1  }
0xbd: {  	v2 =	vadd.f32 v8, v2;
	[tilespmem:s10+$0x14040] =	vst v3  }
0xbe: {  	p0 =	seq.s32 s31, $0xF;
	v0 =	vadd.f32 v63, v0;
	[tilespmem:s10+$0x14050] =	vst v1  }
0xbf: {  	s1 =	sshrl.u32 @!p0 s0, $0x2;
	[tilespmem:s10+$0x14060] =	vst v2  }
0xc0: {  	v6 =	vmov s24;
	s5 =	simm.s32 @!p0 $0x4000;
	s4 =	simm.s32 @!p0 $0x80;
	s2 =	sadd.s32 @!p0 $0x200, s1;
	[tilespmem:s10+$0x14070] =	vst v0  }
0xc1: {  	[tilespmem:s5], [sflag:$0x1] =	stream.indirect.gather @!p0 [hbm4b:s3+s4], $0x80, s2, s4, $0xb8;
	[tilespmem:$0x16000] =	vst v63  }
0xc2: {  	_ =	swait.ge [sflag:s17], $0x4000  }
0xc3: {  	[sflag:s17] =	ssyncset.done $0x0  }
0xc4: {  	s5 =	simm.s32 $0x0;
	[sflag:s17] =	ssyncadd.s32 $0xFFFFC000  }
0xc5: {  	v0 =	vld.idx.msk [tilespmem:v6+s5+$0x0 ss:$0x1], $0x1;
	_ =	sdelay $0x4  }
0xc6: {  	(v2sf) =	vpush v0, $0x0;
	_ =	sdelay $0x4  }
0xc7: {  	s6 =	simm.s32 $0x1  }
0xc8: {  	v0 =	vld.idx.msk [tilespmem:v6+s6+$0x0 ss:$0x1], $0x1;
	_ =	sdelay $0x4  }
0xc9: {  	(v2sf) =	vpush v0, $0x0;
	_ =	sdelay $0x2  }
0xca: {  	s12 =	simm.s32 $0x8000  }
0xcb: {  	s13 =	simm.s32 $0x2;
	s10 =	sshll.u32 s31, $0x2;
	s2 =	spop (v2sf)  }
0xcc: {  	s11 =	sor.u32 $0x1, s10;
	s7 =	sadd.s32 $0x30, s2;
	s9 =	sadd.s32 $0x10, s2  }
0xcd: {  	s15 =	sadd.s32 $0x20, s2;
	s21 =	sand.u32 $0x7F, s2;
	s2 =	sshll.u32 s2, $0x2  }
0xce: {  	s8 =	sand.u32 $0x7F, s7;
	s4 =	sshll.u32 s7, $0x2;
	s14 =	sand.u32 $0x7F, s9  }
0xcf: {  	v0 =	vld.idx.msk [tilespmem:v6+s13+$0x0 ss:$0x1], $0x1;
	s6 =	sshll.u32 s9, $0x2;
	s4 =	sand.u32 $0xFFFFFE00, s4;
	s5 =	sshll.u32 s8, $0x2  }
0xd0: {  	s20 =	sand.u32 $0x7F, s15;
	s2 =	sand.u32 $0xFFFFFE00, s2;
	s4 =	sor.u32 s5, s4  }
0xd1: {  	s6 =	sand.u32 $0xFFFFFE00, s6;
	s9 =	sshll.u32 s14, $0x2;
	s4 =	sshra.s32 s4, $0x2  }
0xd2: {  	s13 =	sshll.u32 s20, $0x2;
	s14 =	simm.s32 $0x10;
	s4 =	sadd.s32 $0x8000, s4  }
0xd3: {  	s5 =	sshll.u32 s15, $0x2;
	s15 =	sshll.u32 s21, $0x2;
	s6 =	sor.u32 s9, s6;
	v2 =	vld [tilespmem:s4+$0x0]  }
0xd4: {  	(v2sf) =	vpush v0, $0x0;
	s5 =	sand.u32 $0xFFFFFE00, s5;
	s2 =	sor.u32 s15, s2;
	s20 =	sshra.s32 s6, $0x2  }
0xd5: {  	s5 =	sor.u32 s13, s5;
	s2 =	sshra.s32 s2, $0x2;
	s4 =	sadd.s32 $0x8000, s20  }
0xd6: {  	s13 =	spop (v2sf);
	s5 =	sshra.s32 s5, $0x2;
	s2 =	sadd.s32 $0x8000, s2;
	v4 =	vld [tilespmem:s4+$0x0]  }
0xd7: {  	v1 =	vimm.f32 $0.0e+00;
	s20 =	sadd.s32 $0x10, s13;
	s21 =	sadd.s32 $0x30, s13;
	s5 =	sadd.s32 $0x8000, s5;
	v7 =	vld [tilespmem:s2+$0x0]  }
0xd8: {  	v3 =	vimm.f32 $0.0e+00;
	s4 =	simm.s32 $0x3;
	s6 =	sshll.u32 s21, $0x2;
	v5 =	vld [tilespmem:s5+$0x0];
	s5 =	sand.u32 $0x7F, s21;
	v0 =	vadd.f32 v2, v1;
	v2 =	vimm.f32 $0.0e+00  }
.LBB2_7:
0xd9: {  	p1 =	sne.s32 s14, $0xC4;
	s2 =	sand.u32 $0xFFFFFE00, s6  }
0xda: {  	v8 =	vld.idx.msk [tilespmem:v6+s4+$0x0 ss:$0x1], $0x1;
	s4 =	sshll.u32 s5, $0x2;
	s5 =	sand.u32 $0x7F, s20;
	s6 =	sadd.s32 $0x20, s13  }
0xdb: {  	s12 =	sadd.s32 $0x80, s12;
	s8 =	sand.u32 $0x7F, s13;
	s2 =	sor.u32 s4, s2  }
0xdc: {  	s13 =	sshll.u32 s13, $0x2;
	s4 =	sshll.u32 s20, $0x2;
	s2 =	sshra.s32 s2, $0x2;
	v1 =	vadd.f32 v4, v1  }
0xdd: {  	s7 =	sand.u32 $0x7F, s6;
	s6 =	sshll.u32 s6, $0x2;
	s2 =	sadd.s32 s2, s12;
	v2 =	vadd.f32 v5, v2  }
0xde: {  	s8 =	sshll.u32 s8, $0x2;
	s4 =	sand.u32 $0xFFFFFE00, s4;
	v5 =	vld [tilespmem:s2+$0x0];
	v3 =	vadd.f32 v7, v3;
	s2 =	sshll.u32 s5, $0x2  }
0xdf: {  	s5 =	sand.u32 $0xFFFFFE00, s6;
	s6 =	sshll.u32 s7, $0x2;
	s7 =	sand.u32 $0xFFFFFE00, s13  }
0xe0: {  	s2 =	sor.u32 s2, s4;
	s4 =	sor.u32 s8, s7;
	(v2sf) =	vpush v8, $0x0  }
.Ltmp4:
0xe1: {  	s5 =	sor.u32 s6, s5;
	s2 =	sshra.s32 s2, $0x2;
	(pc) =	sbr.rel @p1 .LBB2_7-.Ltmp4, $4  }
0xe2: {  	s4 =	sshra.s32 s4, $0x2;
	s5 =	sshra.s32 s5, $0x2;
	s2 =	sadd.s32 s2, s12  }
0xe3: {  	s7 =	sadd.s32 s4, s12;
	s13 =	spop (v2sf);
	v4 =	vld [tilespmem:s2+$0x0];
	s2 =	sadd.s32 s5, s12;
	v0 =	vadd.f32 v5, v0  }
0xe4: {  	s4 =	sshra.s32 s14, $0x2;
	s20 =	sadd.s32 $0x10, s13;
	s6 =	sadd.s32 $0x30, s13;
	v5 =	vld [tilespmem:s2+$0x0]  }
0xe5: {  	s14 =	sadd.s32 $0x4, s14;
	s5 =	sand.u32 $0x7F, s6;
	s6 =	sshll.u32 s6, $0x2;
	v7 =	vld [tilespmem:s7+$0x0]  }
0xe6: {  	_ =	sdelay $0x3  }
0xe7: {  	v6 =	vld.idx.msk [tilespmem:v6+s4+$0x0 ss:$0x1], $0x1;
	s2 =	sand.u32 $0xFFFFFE00, s6;
	s8 =	sshll.u32 s5, $0x2  }
0xe8: {  	s9 =	sand.u32 $0x7F, s20;
	s14 =	sadd.s32 $0x20, s13;
	s15 =	sshll.u32 s20, $0x2  }
0xe9: {  	s7 =	sadd.s32 $0x80, s12;
	s20 =	sand.u32 $0x7F, s13;
	s21 =	sshll.u32 s13, $0x2  }
0xea: {  	s2 =	sor.u32 s8, s2;
	s8 =	sand.u32 $0x7F, s14;
	s4 =	sshll.u32 s14, $0x2  }
0xeb: {  	s6 =	sand.u32 $0xFFFFFE00, s15;
	s5 =	sshll.u32 s9, $0x2;
	s13 =	sand.u32 $0xFFFFFE00, s21  }
0xec: {  	s12 =	sshll.u32 s20, $0x2;
	s2 =	sshra.s32 s2, $0x2;
	s4 =	sand.u32 $0xFFFFFE00, s4;
	(v2sf) =	vpush v6, $0x0  }
0xed: {  	s5 =	sor.u32 s5, s6;
	s9 =	sshll.u32 s8, $0x2;
	s14 =	sor.u32 s12, s13  }
0xee: {  	s2 =	sadd.s32 s2, s7;
	s5 =	sshra.s32 s5, $0x2;
	s4 =	sor.u32 s9, s4  }
0xef: {  	s15 =	sshra.s32 s14, $0x2;
	s5 =	sadd.s32 s5, s7;
	s4 =	sshra.s32 s4, $0x2  }
0xf0: {  	s6 =	sadd.s32 s15, s7;
	s4 =	sadd.s32 s4, s7;
	s7 =	sadd.s32 $0x80, s7  }
0xf1: {  	v10 =	vld [tilespmem:s6+$0x0];
	s6 =	sadd.s32 $0x80, s7;
	s8 =	spop (v2sf)  }
0xf2: {  	s20 =	sadd.s32 $0x30, s8;
	s14 =	sadd.s32 $0x10, s8;
	s15 =	sadd.s32 $0x20, s8  }
0xf3: {  	s21 =	sand.u32 $0x7F, s20;
	s12 =	sshll.u32 s20, $0x2;
	s9 =	sand.u32 $0x7F, s14  }
0xf4: {  	s14 =	sshll.u32 s14, $0x2;
	s12 =	sand.u32 $0xFFFFFE00, s12;
	s13 =	sshll.u32 s21, $0x2  }
0xf5: {  	s21 =	sand.u32 $0x7F, s15;
	s14 =	sand.u32 $0xFFFFFE00, s14;
	s20 =	sshll.u32 s9, $0x2  }
0xf6: {  	s12 =	sor.u32 s13, s12;
	s13 =	sshll.u32 s15, $0x2;
	s15 =	sand.u32 $0x7F, s8  }
0xf7: {  	s8 =	sshll.u32 s8, $0x2;
	s14 =	sor.u32 s20, s14;
	s9 =	sshll.u32 s21, $0x2  }
0xf8: {  	s12 =	sshra.s32 s12, $0x2;
	s13 =	sand.u32 $0xFFFFFE00, s13;
	s8 =	sand.u32 $0xFFFFFE00, s8  }
0xf9: {  	s15 =	sshll.u32 s15, $0x2;
	s14 =	sshra.s32 s14, $0x2;
	s12 =	sadd.s32 s12, s7  }
0xfa: {  	s8 =	sor.u32 s15, s8;
	s13 =	sor.u32 s9, s13;
	s14 =	sadd.s32 s14, s7  }
0xfb: {  	s8 =	sshra.s32 s8, $0x2;
	s13 =	sshra.s32 s13, $0x2;
	s15 =	spop (v2sf)  }
0xfc: {  	v6 =	vld [tilespmem:s2+$0x0];
	s8 =	sadd.s32 s8, s7;
	s13 =	sadd.s32 s13, s7;
	s21 =	sadd.s32 $0x30, s15  }
0xfd: {  	v9 =	vld [tilespmem:s4+$0x0];
	s2 =	sadd.s32 $0x10, s15;
	s4 =	sand.u32 $0x7F, s15;
	s9 =	sshll.u32 s21, $0x2  }
0xfe: {  	s20 =	sand.u32 $0x7F, s21;
	s4 =	sshll.u32 s4, $0x2;
	s21 =	sand.u32 $0xFFFFFE00, s9  }
0xff: {  	v8 =	vld [tilespmem:s5+$0x0];
	s5 =	sshll.u32 s20, $0x2;
	s9 =	sadd.s32 $0x20, s15;
	s15 =	sshll.u32 s15, $0x2  }
0x100: {  	s20 =	sand.u32 $0x7F, s2;
	s2 =	sshll.u32 s2, $0x2;
	s15 =	sand.u32 $0xFFFFFE00, s15  }
0x101: {  	v11 =	vld [tilespmem:s12+$0x0];
	s12 =	sand.u32 $0x7F, s9;
	s9 =	sshll.u32 s9, $0x2;
	s2 =	sand.u32 $0xFFFFFE00, s2  }
0x102: {  	v12 =	vld [tilespmem:s14+$0x0];
	s4 =	sor.u32 s4, s15;
	s15 =	sshll.u32 s20, $0x2;
	s9 =	sand.u32 $0xFFFFFE00, s9  }
0x103: {  	v13 =	vld [tilespmem:s8+$0x0];
	s7 =	sshll.u32 s12, $0x2;
	s2 =	sor.u32 s15, s2;
	s4 =	sshra.s32 s4, $0x2  }
0x104: {  	v3 =	vadd.f32 v7, v3;
	v7 =	vld [tilespmem:s13+$0x0];
	s7 =	sor.u32 s7, s9;
	s2 =	sshra.s32 s2, $0x2;
	s4 =	sadd.s32 s4, s6  }
0x105: {  	v1 =	vadd.f32 v4, v1;
	s5 =	sor.u32 s5, s21;
	s7 =	sshra.s32 s7, $0x2;
	s2 =	sadd.s32 s2, s6;
	v4 =	vld [tilespmem:s4+$0x0]  }
0x106: {  	v2 =	vadd.f32 v5, v2;
	v3 =	vadd.f32 v10, v3;
	s20 =	sshra.s32 s5, $0x2;
	s21 =	sadd.s32 s7, s6;
	v5 =	vld [tilespmem:s2+$0x0]  }
0x107: {  	v1 =	vadd.f32 v8, v1;
	s4 =	sadd.s32 s20, s6;
	v8 =	vld [tilespmem:s21+$0x0]  }
0x108: {  	v2 =	vadd.f32 v9, v2;
	v3 =	vadd.f32 v13, v3;
	v63 =	vld [tilespmem:s4+$0x0]  }
0x109: {  	v0 =	vadd.f32 v6, v0;
	v1 =	vadd.f32 v12, v1  }
0x10a: {  	v2 =	vadd.f32 v7, v2;
	v3 =	vadd.f32 v4, v3  }
0x10b: {  	s11 =	sshll.u32 s11, $0x7;
	v6 =	vmov s25;
	v0 =	vadd.f32 v11, v0;
	v1 =	vadd.f32 v5, v1  }
0x10c: {  	v2 =	vadd.f32 v8, v2;
	[tilespmem:s11+$0x14000] =	vst v3  }
0x10d: {  	v0 =	vadd.f32 v63, v0;
	[tilespmem:s11+$0x14010] =	vst v1  }
0x10e: {  	[tilespmem:s11+$0x14020] =	vst v2  }
0x10f: {  	s5 =	simm.s32 $0x0;
	[tilespmem:s11+$0x14030] =	vst v0  }
0x110: {  	v0 =	vld.idx.msk [tilespmem:v6+s5+$0x0 ss:$0x1], $0x1;
	_ =	sdelay $0x4  }
0x111: {  	(v2sf) =	vpush v0, $0x0;
	_ =	sdelay $0x2  }
0x112: {  	s6 =	simm.s32 $0x1  }
0x113: {  	v0 =	vld.idx.msk [tilespmem:v6+s6+$0x0 ss:$0x1], $0x1;
	_ =	sdelay $0x4  }
0x114: {  	(v2sf) =	vpush v0, $0x0;
	_ =	sdelay $0x5  }
0x115: {  	s13 =	simm.s32 $0x2;
	s2 =	spop (v2sf)  }
0x116: {  	s12 =	simm.s32 $0xA000;
	s7 =	sadd.s32 $0x30, s2;
	s9 =	sadd.s32 $0x10, s2  }
0x117: {  	s15 =	sadd.s32 $0x20, s2;
	s21 =	sand.u32 $0x7F, s2;
	s2 =	sshll.u32 s2, $0x2  }
0x118: {  	s8 =	sand.u32 $0x7F, s7;
	s4 =	sshll.u32 s7, $0x2;
	s14 =	sand.u32 $0x7F, s9  }
0x119: {  	v0 =	vld.idx.msk [tilespmem:v6+s13+$0x0 ss:$0x1], $0x1;
	s6 =	sshll.u32 s9, $0x2;
	s4 =	sand.u32 $0xFFFFFE00, s4;
	s5 =	sshll.u32 s8, $0x2  }
0x11a: {  	s20 =	sand.u32 $0x7F, s15;
	s2 =	sand.u32 $0xFFFFFE00, s2;
	s4 =	sor.u32 s5, s4  }
0x11b: {  	s6 =	sand.u32 $0xFFFFFE00, s6;
	s8 =	sshll.u32 s14, $0x2;
	s4 =	sshra.s32 s4, $0x2  }
0x11c: {  	s14 =	sshll.u32 s20, $0x2;
	s5 =	sshll.u32 s15, $0x2;
	s4 =	sadd.s32 $0xA000, s4  }
0x11d: {  	s15 =	sshll.u32 s21, $0x2;
	s6 =	sor.u32 s8, s6;
	s5 =	sand.u32 $0xFFFFFE00, s5;
	v2 =	vld [tilespmem:s4+$0x0]  }
0x11e: {  	(v2sf) =	vpush v0, $0x0;
	s2 =	sor.u32 s15, s2;
	s20 =	sshra.s32 s6, $0x2;
	s13 =	spop (v2sf)  }
0x11f: {  	s5 =	sor.u32 s14, s5;
	s2 =	sshra.s32 s2, $0x2;
	s4 =	sadd.s32 $0xA000, s20  }
0x120: {  	s21 =	sadd.s32 $0x30, s13;
	s5 =	sshra.s32 s5, $0x2;
	s2 =	sadd.s32 $0xA000, s2;
	v4 =	vld [tilespmem:s4+$0x0]  }
0x121: {  	v1 =	vimm.f32 $0.0e+00;
	s14 =	simm.s32 $0x10;
	s20 =	sadd.s32 $0x10, s13;
	s5 =	sadd.s32 $0xA000, s5;
	v7 =	vld [tilespmem:s2+$0x0]  }
0x122: {  	v3 =	vimm.f32 $0.0e+00;
	s6 =	sshll.u32 s21, $0x2;
	s4 =	simm.s32 $0x3;
	v5 =	vld [tilespmem:s5+$0x0];
	s5 =	sand.u32 $0x7F, s21;
	v0 =	vadd.f32 v2, v1;
	v2 =	vimm.f32 $0.0e+00  }
.LBB2_9:
0x123: {  	p1 =	sne.s32 s14, $0xC4;
	s2 =	sand.u32 $0xFFFFFE00, s6  }
0x124: {  	v8 =	vld.idx.msk [tilespmem:v6+s4+$0x0 ss:$0x1], $0x1;
	s4 =	sshll.u32 s5, $0x2;
	s5 =	sand.u32 $0x7F, s20;
	s6 =	sadd.s32 $0x20, s13  }
0x125: {  	s12 =	sadd.s32 $0x80, s12;
	s8 =	sand.u32 $0x7F, s13;
	s2 =	sor.u32 s4, s2  }
0x126: {  	s9 =	sshll.u32 s13, $0x2;
	s4 =	sshll.u32 s20, $0x2;
	s2 =	sshra.s32 s2, $0x2;
	v1 =	vadd.f32 v4, v1  }
0x127: {  	s7 =	sand.u32 $0x7F, s6;
	s6 =	sshll.u32 s6, $0x2;
	s2 =	sadd.s32 s2, s12;
	v2 =	vadd.f32 v5, v2  }
0x128: {  	s8 =	sshll.u32 s8, $0x2;
	s4 =	sand.u32 $0xFFFFFE00, s4;
	v5 =	vld [tilespmem:s2+$0x0];
	v3 =	vadd.f32 v7, v3;
	s2 =	sshll.u32 s5, $0x2  }
0x129: {  	s5 =	sand.u32 $0xFFFFFE00, s6;
	s6 =	sshll.u32 s7, $0x2;
	s7 =	sand.u32 $0xFFFFFE00, s9  }
0x12a: {  	s2 =	sor.u32 s2, s4;
	s4 =	sor.u32 s8, s7;
	(v2sf) =	vpush v8, $0x0  }
.Ltmp5:
0x12b: {  	s5 =	sor.u32 s6, s5;
	s2 =	sshra.s32 s2, $0x2;
	(pc) =	sbr.rel @p1 .LBB2_9-.Ltmp5, $4  }
0x12c: {  	s4 =	sshra.s32 s4, $0x2;
	s5 =	sshra.s32 s5, $0x2;
	s2 =	sadd.s32 s2, s12  }
0x12d: {  	s7 =	sadd.s32 s4, s12;
	s13 =	spop (v2sf);
	v4 =	vld [tilespmem:s2+$0x0];
	s2 =	sadd.s32 s5, s12;
	v0 =	vadd.f32 v5, v0  }
0x12e: {  	s4 =	sshra.s32 s14, $0x2;
	s20 =	sadd.s32 $0x10, s13;
	s6 =	sadd.s32 $0x30, s13;
	v5 =	vld [tilespmem:s2+$0x0]  }
0x12f: {  	s14 =	sadd.s32 $0x4, s14;
	s5 =	sand.u32 $0x7F, s6;
	s6 =	sshll.u32 s6, $0x2;
	v7 =	vld [tilespmem:s7+$0x0]  }
0x130: {  	_ =	sdelay $0x3  }
0x131: {  	v6 =	vld.idx.msk [tilespmem:v6+s4+$0x0 ss:$0x1], $0x1;
	s2 =	sand.u32 $0xFFFFFE00, s6;
	s9 =	sshll.u32 s5, $0x2  }
0x132: {  	s14 =	sand.u32 $0x7F, s20;
	s15 =	sadd.s32 $0x20, s13;
	s20 =	sshll.u32 s20, $0x2  }
0x133: {  	s7 =	sadd.s32 $0x80, s12;
	s21 =	sshll.u32 s13, $0x2;
	s2 =	sor.u32 s9, s2  }
0x134: {  	s8 =	sand.u32 $0x7F, s15;
	s4 =	sshll.u32 s15, $0x2;
	s9 =	sand.u32 $0x7F, s13  }
0x135: {  	s6 =	sand.u32 $0xFFFFFE00, s20;
	s5 =	sshll.u32 s14, $0x2;
	s12 =	sand.u32 $0xFFFFFE00, s21  }
0x136: {  	s2 =	sshra.s32 s2, $0x2;
	s4 =	sand.u32 $0xFFFFFE00, s4;
	s9 =	sshll.u32 s9, $0x2;
	(v2sf) =	vpush v6, $0x0  }
0x137: {  	s5 =	sor.u32 s5, s6;
	s8 =	sshll.u32 s8, $0x2;
	s2 =	sadd.s32 s2, s7  }
0x138: {  	s9 =	sor.u32 s9, s12;
	s5 =	sshra.s32 s5, $0x2;
	s4 =	sor.u32 s8, s4  }
0x139: {  	s12 =	sshra.s32 s9, $0x2;
	s5 =	sadd.s32 s5, s7;
	s4 =	sshra.s32 s4, $0x2  }
0x13a: {  	s6 =	sadd.s32 s12, s7;
	s4 =	sadd.s32 s4, s7;
	s7 =	sadd.s32 $0x80, s7  }
0x13b: {  	v10 =	vld [tilespmem:s6+$0x0];
	s6 =	sadd.s32 $0x80, s7;
	s8 =	spop (v2sf)  }
0x13c: {  	s13 =	sadd.s32 $0x30, s8;
	s15 =	sadd.s32 $0x10, s8;
	s20 =	sadd.s32 $0x20, s8  }
0x13d: {  	s21 =	sand.u32 $0x7F, s8;
	s8 =	sshll.u32 s8, $0x2;
	s14 =	sand.u32 $0x7F, s13  }
0x13e: {  	s9 =	sshll.u32 s13, $0x2;
	s13 =	sshll.u32 s15, $0x2;
	s8 =	sand.u32 $0xFFFFFE00, s8  }
0x13f: {  	s9 =	sand.u32 $0xFFFFFE00, s9;
	s12 =	sshll.u32 s14, $0x2;
	s14 =	sand.u32 $0x7F, s15  }
0x140: {  	s15 =	sand.u32 $0x7F, s20;
	s13 =	sand.u32 $0xFFFFFE00, s13;
	s9 =	sor.u32 s12, s9  }
0x141: {  	s12 =	sshll.u32 s20, $0x2;
	s14 =	sshll.u32 s14, $0x2;
	s20 =	sshll.u32 s21, $0x2  }
0x142: {  	s15 =	sshll.u32 s15, $0x2;
	s9 =	sshra.s32 s9, $0x2;
	s12 =	sand.u32 $0xFFFFFE00, s12  }
0x143: {  	s13 =	sor.u32 s14, s13;
	s8 =	sor.u32 s20, s8;
	s9 =	sadd.s32 s9, s7  }
0x144: {  	s13 =	sshra.s32 s13, $0x2;
	s12 =	sor.u32 s15, s12;
	s8 =	sshra.s32 s8, $0x2  }
0x145: {  	s13 =	sadd.s32 s13, s7;
	s12 =	sshra.s32 s12, $0x2;
	s14 =	spop (v2sf)  }
0x146: {  	v6 =	vld [tilespmem:s2+$0x0];
	s8 =	sadd.s32 s8, s7;
	s12 =	sadd.s32 s12, s7;
	s20 =	sadd.s32 $0x30, s14  }
0x147: {  	v9 =	vld [tilespmem:s4+$0x0];
	s2 =	sadd.s32 $0x10, s14;
	s4 =	sand.u32 $0x7F, s14;
	s21 =	sshll.u32 s20, $0x2  }
0x148: {  	s15 =	sand.u32 $0x7F, s20;
	s4 =	sshll.u32 s4, $0x2;
	s20 =	sand.u32 $0xFFFFFE00, s21  }
0x149: {  	v8 =	vld [tilespmem:s5+$0x0];
	s5 =	sshll.u32 s15, $0x2;
	s21 =	sadd.s32 $0x20, s14;
	s14 =	sshll.u32 s14, $0x2  }
0x14a: {  	s15 =	sand.u32 $0x7F, s2;
	s2 =	sshll.u32 s2, $0x2;
	s14 =	sand.u32 $0xFFFFFE00, s14  }
0x14b: {  	v11 =	vld [tilespmem:s9+$0x0];
	s7 =	sand.u32 $0x7F, s21;
	s2 =	sand.u32 $0xFFFFFE00, s2;
	s15 =	sshll.u32 s15, $0x2  }
0x14c: {  	v12 =	vld [tilespmem:s13+$0x0];
	s5 =	sor.u32 s5, s20;
	s4 =	sor.u32 s4, s14;
	s14 =	sshll.u32 s21, $0x2  }
0x14d: {  	v13 =	vld [tilespmem:s8+$0x0];
	s7 =	sshll.u32 s7, $0x2;
	s2 =	sor.u32 s15, s2;
	s4 =	sshra.s32 s4, $0x2  }
0x14e: {  	v3 =	vadd.f32 v7, v3;
	v7 =	vld [tilespmem:s12+$0x0];
	s9 =	sand.u32 $0xFFFFFE00, s14;
	s2 =	sshra.s32 s2, $0x2;
	s4 =	sadd.s32 s4, s6  }
0x14f: {  	v1 =	vadd.f32 v4, v1;
	s20 =	sshra.s32 s5, $0x2;
	s7 =	sor.u32 s7, s9;
	s2 =	sadd.s32 s2, s6;
	v4 =	vld [tilespmem:s4+$0x0]  }
0x150: {  	v2 =	vadd.f32 v5, v2;
	v3 =	vadd.f32 v10, v3;
	s7 =	sshra.s32 s7, $0x2;
	v5 =	vld [tilespmem:s2+$0x0];
	s4 =	sadd.s32 s20, s6  }
0x151: {  	v1 =	vadd.f32 v8, v1;
	s21 =	sadd.s32 s7, s6;
	v63 =	vld [tilespmem:s4+$0x0]  }
0x152: {  	v0 =	vadd.f32 v6, v0;
	v3 =	vadd.f32 v13, v3;
	v8 =	vld [tilespmem:s21+$0x0]  }
0x153: {  	v2 =	vadd.f32 v9, v2;
	v1 =	vadd.f32 v12, v1  }
0x154: {  	v0 =	vadd.f32 v11, v0;
	v3 =	vadd.f32 v4, v3  }
0x155: {  	v2 =	vadd.f32 v7, v2;
	v1 =	vadd.f32 v5, v1  }
0x156: {  	v0 =	vadd.f32 v63, v0;
	[tilespmem:s11+$0x14040] =	vst v3  }
0x157: {  	v2 =	vadd.f32 v8, v2;
	[tilespmem:s11+$0x14050] =	vst v1  }
0x158: {  	[tilespmem:s11+$0x14070] =	vst v0  }
0x159: {  	v7 =	vmov s26;
	s5 =	simm.s32 @!p0 $0x8000;
	s2 =	sadd.s32 @!p0 $0x280, s1;
	s4 =	simm.s32 @!p0 $0x80;
	[tilespmem:s11+$0x14060] =	vst v2  }
0x15a: {  	[tilespmem:s5], [sflag:$0x2] =	stream.indirect.gather @!p0 [hbm4b:s3+s4], $0x80, s2, s4, $0xb8;
	[tilespmem:$0x16000] =	vst v63  }
0x15b: {  	_ =	swait.ge [sflag:s18], $0x4000  }
0x15c: {  	[sflag:s18] =	ssyncset.done $0x0  }
0x15d: {  	s5 =	simm.s32 $0x0;
	[sflag:s18] =	ssyncadd.s32 $0xFFFFC000  }
0x15e: {  	v0 =	vld.idx.msk [tilespmem:v7+s5+$0x0 ss:$0x1], $0x1;
	_ =	sdelay $0x4  }
0x15f: {  	(v2sf) =	vpush v0, $0x0;
	_ =	sdelay $0x2  }
0x160: {  	s6 =	simm.s32 $0x1  }
0x161: {  	v0 =	vld.idx.msk [tilespmem:v7+s6+$0x0 ss:$0x1], $0x1;
	_ =	sdelay $0x4  }
0x162: {  	(v2sf) =	vpush v0, $0x0;
	_ =	sdelay $0x5  }
0x163: {  	s13 =	simm.s32 $0x2;
	s12 =	simm.s32 $0xC000;
	s2 =	spop (v2sf)  }
0x164: {  	s11 =	sor.u32 $0x2, s10;
	s7 =	sadd.s32 $0x30, s2;
	s9 =	sadd.s32 $0x10, s2  }
0x165: {  	s15 =	sadd.s32 $0x20, s2;
	s21 =	sand.u32 $0x7F, s2;
	s2 =	sshll.u32 s2, $0x2  }
0x166: {  	s8 =	sand.u32 $0x7F, s7;
	s4 =	sshll.u32 s7, $0x2;
	s14 =	sand.u32 $0x7F, s9  }
0x167: {  	v0 =	vld.idx.msk [tilespmem:v7+s13+$0x0 ss:$0x1], $0x1;
	s6 =	sshll.u32 s9, $0x2;
	s4 =	sand.u32 $0xFFFFFE00, s4;
	s5 =	sshll.u32 s8, $0x2  }
0x168: {  	s20 =	sand.u32 $0x7F, s15;
	s2 =	sand.u32 $0xFFFFFE00, s2;
	s4 =	sor.u32 s5, s4  }
0x169: {  	s6 =	sand.u32 $0xFFFFFE00, s6;
	s8 =	sshll.u32 s14, $0x2;
	s4 =	sshra.s32 s4, $0x2  }
0x16a: {  	s14 =	sshll.u32 s20, $0x2;
	s5 =	sshll.u32 s15, $0x2;
	s4 =	sadd.s32 $0xC000, s4  }
0x16b: {  	s15 =	sshll.u32 s21, $0x2;
	s6 =	sor.u32 s8, s6;
	s5 =	sand.u32 $0xFFFFFE00, s5;
	v2 =	vld [tilespmem:s4+$0x0]  }
0x16c: {  	(v2sf) =	vpush v0, $0x0;
	s2 =	sor.u32 s15, s2;
	s20 =	sshra.s32 s6, $0x2;
	s13 =	spop (v2sf)  }
0x16d: {  	s5 =	sor.u32 s14, s5;
	s2 =	sshra.s32 s2, $0x2;
	s4 =	sadd.s32 $0xC000, s20  }
0x16e: {  	s21 =	sadd.s32 $0x30, s13;
	s5 =	sshra.s32 s5, $0x2;
	s2 =	sadd.s32 $0xC000, s2;
	v4 =	vld [tilespmem:s4+$0x0]  }
0x16f: {  	v1 =	vimm.f32 $0.0e+00;
	s14 =	simm.s32 $0x10;
	s20 =	sadd.s32 $0x10, s13;
	s5 =	sadd.s32 $0xC000, s5;
	v6 =	vld [tilespmem:s2+$0x0]  }
0x170: {  	v3 =	vimm.f32 $0.0e+00;
	s6 =	sshll.u32 s21, $0x2;
	s4 =	simm.s32 $0x3;
	v5 =	vld [tilespmem:s5+$0x0];
	s5 =	sand.u32 $0x7F, s21;
	v0 =	vadd.f32 v2, v1;
	v2 =	vimm.f32 $0.0e+00  }
.LBB2_11:
0x171: {  	p1 =	sne.s32 s14, $0xC4;
	s2 =	sand.u32 $0xFFFFFE00, s6  }
0x172: {  	v8 =	vld.idx.msk [tilespmem:v7+s4+$0x0 ss:$0x1], $0x1;
	s4 =	sshll.u32 s5, $0x2;
	s5 =	sand.u32 $0x7F, s20;
	s6 =	sadd.s32 $0x20, s13  }
0x173: {  	s12 =	sadd.s32 $0x80, s12;
	s8 =	sand.u32 $0x7F, s13;
	s2 =	sor.u32 s4, s2  }
0x174: {  	s9 =	sshll.u32 s13, $0x2;
	s4 =	sshll.u32 s20, $0x2;
	s2 =	sshra.s32 s2, $0x2;
	v1 =	vadd.f32 v4, v1  }
0x175: {  	s7 =	sand.u32 $0x7F, s6;
	s6 =	sshll.u32 s6, $0x2;
	s2 =	sadd.s32 s2, s12;
	v2 =	vadd.f32 v5, v2  }
0x176: {  	s8 =	sshll.u32 s8, $0x2;
	s4 =	sand.u32 $0xFFFFFE00, s4;
	v5 =	vld [tilespmem:s2+$0x0];
	v3 =	vadd.f32 v6, v3;
	s2 =	sshll.u32 s5, $0x2  }
0x177: {  	s5 =	sand.u32 $0xFFFFFE00, s6;
	s6 =	sshll.u32 s7, $0x2;
	s7 =	sand.u32 $0xFFFFFE00, s9  }
0x178: {  	s2 =	sor.u32 s2, s4;
	s4 =	sor.u32 s8, s7;
	(v2sf) =	vpush v8, $0x0  }
.Ltmp6:
0x179: {  	s5 =	sor.u32 s6, s5;
	s2 =	sshra.s32 s2, $0x2;
	(pc) =	sbr.rel @p1 .LBB2_11-.Ltmp6, $4  }
0x17a: {  	s4 =	sshra.s32 s4, $0x2;
	s5 =	sshra.s32 s5, $0x2;
	s2 =	sadd.s32 s2, s12  }
0x17b: {  	s7 =	sadd.s32 s4, s12;
	s13 =	spop (v2sf);
	v4 =	vld [tilespmem:s2+$0x0];
	s2 =	sadd.s32 s5, s12;
	v0 =	vadd.f32 v5, v0  }
0x17c: {  	s4 =	sshra.s32 s14, $0x2;
	s20 =	sadd.s32 $0x10, s13;
	s6 =	sadd.s32 $0x30, s13;
	v5 =	vld [tilespmem:s2+$0x0]  }
0x17d: {  	s14 =	sadd.s32 $0x4, s14;
	s5 =	sand.u32 $0x7F, s6;
	s6 =	sshll.u32 s6, $0x2;
	v6 =	vld [tilespmem:s7+$0x0]  }
0x17e: {  	_ =	sdelay $0x3  }
0x17f: {  	v7 =	vld.idx.msk [tilespmem:v7+s4+$0x0 ss:$0x1], $0x1;
	s2 =	sand.u32 $0xFFFFFE00, s6;
	s9 =	sshll.u32 s5, $0x2  }
0x180: {  	s14 =	sand.u32 $0x7F, s20;
	s15 =	sadd.s32 $0x20, s13;
	s20 =	sshll.u32 s20, $0x2  }
0x181: {  	s7 =	sadd.s32 $0x80, s12;
	s21 =	sshll.u32 s13, $0x2;
	s2 =	sor.u32 s9, s2  }
0x182: {  	s8 =	sand.u32 $0x7F, s15;
	s4 =	sshll.u32 s15, $0x2;
	s9 =	sand.u32 $0x7F, s13  }
0x183: {  	s6 =	sand.u32 $0xFFFFFE00, s20;
	s5 =	sshll.u32 s14, $0x2;
	s12 =	sand.u32 $0xFFFFFE00, s21  }
0x184: {  	s2 =	sshra.s32 s2, $0x2;
	s4 =	sand.u32 $0xFFFFFE00, s4;
	s9 =	sshll.u32 s9, $0x2;
	(v2sf) =	vpush v7, $0x0  }
0x185: {  	s5 =	sor.u32 s5, s6;
	s8 =	sshll.u32 s8, $0x2;
	s2 =	sadd.s32 s2, s7  }
0x186: {  	s9 =	sor.u32 s9, s12;
	s5 =	sshra.s32 s5, $0x2;
	s4 =	sor.u32 s8, s4  }
0x187: {  	s12 =	sshra.s32 s9, $0x2;
	s5 =	sadd.s32 s5, s7;
	s4 =	sshra.s32 s4, $0x2  }
0x188: {  	s6 =	sadd.s32 s12, s7;
	s4 =	sadd.s32 s4, s7;
	s7 =	sadd.s32 $0x80, s7  }
0x189: {  	v10 =	vld [tilespmem:s6+$0x0];
	s6 =	sadd.s32 $0x80, s7;
	s8 =	spop (v2sf)  }
0x18a: {  	s13 =	sadd.s32 $0x30, s8;
	s15 =	sadd.s32 $0x10, s8;
	s20 =	sadd.s32 $0x20, s8  }
0x18b: {  	s21 =	sand.u32 $0x7F, s8;
	s8 =	sshll.u32 s8, $0x2;
	s14 =	sand.u32 $0x7F, s13  }
0x18c: {  	s9 =	sshll.u32 s13, $0x2;
	s13 =	sshll.u32 s15, $0x2;
	s8 =	sand.u32 $0xFFFFFE00, s8  }
0x18d: {  	s9 =	sand.u32 $0xFFFFFE00, s9;
	s12 =	sshll.u32 s14, $0x2;
	s14 =	sand.u32 $0x7F, s15  }
0x18e: {  	s15 =	sand.u32 $0x7F, s20;
	s13 =	sand.u32 $0xFFFFFE00, s13;
	s9 =	sor.u32 s12, s9  }
0x18f: {  	s12 =	sshll.u32 s20, $0x2;
	s14 =	sshll.u32 s14, $0x2;
	s20 =	sshll.u32 s21, $0x2  }
0x190: {  	s15 =	sshll.u32 s15, $0x2;
	s9 =	sshra.s32 s9, $0x2;
	s12 =	sand.u32 $0xFFFFFE00, s12  }
0x191: {  	s13 =	sor.u32 s14, s13;
	s8 =	sor.u32 s20, s8;
	s9 =	sadd.s32 s9, s7  }
0x192: {  	s13 =	sshra.s32 s13, $0x2;
	s12 =	sor.u32 s15, s12;
	s8 =	sshra.s32 s8, $0x2  }
0x193: {  	s13 =	sadd.s32 s13, s7;
	s12 =	sshra.s32 s12, $0x2;
	s14 =	spop (v2sf)  }
0x194: {  	v7 =	vld [tilespmem:s2+$0x0];
	s8 =	sadd.s32 s8, s7;
	s12 =	sadd.s32 s12, s7;
	s20 =	sadd.s32 $0x30, s14  }
0x195: {  	v9 =	vld [tilespmem:s4+$0x0];
	s2 =	sadd.s32 $0x10, s14;
	s4 =	sand.u32 $0x7F, s14;
	s21 =	sshll.u32 s20, $0x2  }
0x196: {  	s15 =	sand.u32 $0x7F, s20;
	s4 =	sshll.u32 s4, $0x2;
	s20 =	sand.u32 $0xFFFFFE00, s21  }
0x197: {  	v8 =	vld [tilespmem:s5+$0x0];
	s5 =	sshll.u32 s15, $0x2;
	s21 =	sadd.s32 $0x20, s14;
	s14 =	sshll.u32 s14, $0x2  }
0x198: {  	s15 =	sand.u32 $0x7F, s2;
	s2 =	sshll.u32 s2, $0x2;
	s14 =	sand.u32 $0xFFFFFE00, s14  }
0x199: {  	v11 =	vld [tilespmem:s9+$0x0];
	s7 =	sand.u32 $0x7F, s21;
	s2 =	sand.u32 $0xFFFFFE00, s2;
	s15 =	sshll.u32 s15, $0x2  }
0x19a: {  	v12 =	vld [tilespmem:s13+$0x0];
	s5 =	sor.u32 s5, s20;
	s4 =	sor.u32 s4, s14;
	s14 =	sshll.u32 s21, $0x2  }
0x19b: {  	v13 =	vld [tilespmem:s8+$0x0];
	s7 =	sshll.u32 s7, $0x2;
	s2 =	sor.u32 s15, s2;
	s4 =	sshra.s32 s4, $0x2  }
0x19c: {  	v3 =	vadd.f32 v6, v3;
	v6 =	vld [tilespmem:s12+$0x0];
	s9 =	sand.u32 $0xFFFFFE00, s14;
	s2 =	sshra.s32 s2, $0x2;
	s4 =	sadd.s32 s4, s6  }
0x19d: {  	v1 =	vadd.f32 v4, v1;
	s20 =	sshra.s32 s5, $0x2;
	s7 =	sor.u32 s7, s9;
	s2 =	sadd.s32 s2, s6;
	v4 =	vld [tilespmem:s4+$0x0]  }
0x19e: {  	v2 =	vadd.f32 v5, v2;
	v3 =	vadd.f32 v10, v3;
	s7 =	sshra.s32 s7, $0x2;
	v5 =	vld [tilespmem:s2+$0x0];
	s4 =	sadd.s32 s20, s6  }
0x19f: {  	v1 =	vadd.f32 v8, v1;
	s21 =	sadd.s32 s7, s6;
	v63 =	vld [tilespmem:s4+$0x0]  }
0x1a0: {  	v0 =	vadd.f32 v7, v0;
	v3 =	vadd.f32 v13, v3;
	v8 =	vld [tilespmem:s21+$0x0]  }
0x1a1: {  	v2 =	vadd.f32 v9, v2;
	v1 =	vadd.f32 v12, v1  }
0x1a2: {  	v0 =	vadd.f32 v11, v0;
	v3 =	vadd.f32 v4, v3  }
0x1a3: {  	s11 =	sshll.u32 s11, $0x7;
	v2 =	vadd.f32 v6, v2;
	v6 =	vmov s28;
	v1 =	vadd.f32 v5, v1  }
0x1a4: {  	v0 =	vadd.f32 v63, v0;
	[tilespmem:s11+$0x14000] =	vst v3  }
0x1a5: {  	v2 =	vadd.f32 v8, v2;
	[tilespmem:s11+$0x14010] =	vst v1  }
0x1a6: {  	[tilespmem:s11+$0x14030] =	vst v0  }
0x1a7: {  	s5 =	simm.s32 $0x0;
	[tilespmem:s11+$0x14020] =	vst v2  }
0x1a8: {  	v0 =	vld.idx.msk [tilespmem:v6+s5+$0x0 ss:$0x1], $0x1;
	_ =	sdelay $0x4  }
0x1a9: {  	(v2sf) =	vpush v0, $0x0;
	_ =	sdelay $0x2  }
0x1aa: {  	s6 =	simm.s32 $0x1  }
0x1ab: {  	v0 =	vld.idx.msk [tilespmem:v6+s6+$0x0 ss:$0x1], $0x1;
	_ =	sdelay $0x4  }
0x1ac: {  	(v2sf) =	vpush v0, $0x0;
	_ =	sdelay $0x5  }
0x1ad: {  	s13 =	simm.s32 $0x2;
	s2 =	spop (v2sf)  }
0x1ae: {  	s12 =	simm.s32 $0xE000;
	s7 =	sadd.s32 $0x30, s2;
	s9 =	sadd.s32 $0x10, s2  }
0x1af: {  	s15 =	sadd.s32 $0x20, s2;
	s21 =	sand.u32 $0x7F, s2;
	s2 =	sshll.u32 s2, $0x2  }
0x1b0: {  	s8 =	sand.u32 $0x7F, s7;
	s4 =	sshll.u32 s7, $0x2;
	s14 =	sand.u32 $0x7F, s9  }
0x1b1: {  	v0 =	vld.idx.msk [tilespmem:v6+s13+$0x0 ss:$0x1], $0x1;
	s6 =	sshll.u32 s9, $0x2;
	s4 =	sand.u32 $0xFFFFFE00, s4;
	s5 =	sshll.u32 s8, $0x2  }
0x1b2: {  	s20 =	sand.u32 $0x7F, s15;
	s2 =	sand.u32 $0xFFFFFE00, s2;
	s4 =	sor.u32 s5, s4  }
0x1b3: {  	s6 =	sand.u32 $0xFFFFFE00, s6;
	s8 =	sshll.u32 s14, $0x2;
	s4 =	sshra.s32 s4, $0x2  }
0x1b4: {  	s14 =	sshll.u32 s20, $0x2;
	s5 =	sshll.u32 s15, $0x2;
	s4 =	sadd.s32 $0xE000, s4  }
0x1b5: {  	s15 =	sshll.u32 s21, $0x2;
	s6 =	sor.u32 s8, s6;
	s5 =	sand.u32 $0xFFFFFE00, s5;
	v2 =	vld [tilespmem:s4+$0x0]  }
0x1b6: {  	(v2sf) =	vpush v0, $0x0;
	s2 =	sor.u32 s15, s2;
	s20 =	sshra.s32 s6, $0x2;
	s13 =	spop (v2sf)  }
0x1b7: {  	s5 =	sor.u32 s14, s5;
	s2 =	sshra.s32 s2, $0x2;
	s4 =	sadd.s32 $0xE000, s20  }
0x1b8: {  	s21 =	sadd.s32 $0x30, s13;
	s5 =	sshra.s32 s5, $0x2;
	s2 =	sadd.s32 $0xE000, s2;
	v4 =	vld [tilespmem:s4+$0x0]  }
0x1b9: {  	v1 =	vimm.f32 $0.0e+00;
	s14 =	simm.s32 $0x10;
	s20 =	sadd.s32 $0x10, s13;
	s5 =	sadd.s32 $0xE000, s5;
	v7 =	vld [tilespmem:s2+$0x0]  }
0x1ba: {  	v3 =	vimm.f32 $0.0e+00;
	s6 =	sshll.u32 s21, $0x2;
	s4 =	simm.s32 $0x3;
	v5 =	vld [tilespmem:s5+$0x0];
	s5 =	sand.u32 $0x7F, s21;
	v0 =	vadd.f32 v2, v1;
	v2 =	vimm.f32 $0.0e+00  }
.LBB2_13:
0x1bb: {  	p1 =	sne.s32 s14, $0xC4;
	s2 =	sand.u32 $0xFFFFFE00, s6  }
0x1bc: {  	v8 =	vld.idx.msk [tilespmem:v6+s4+$0x0 ss:$0x1], $0x1;
	s4 =	sshll.u32 s5, $0x2;
	s5 =	sand.u32 $0x7F, s20;
	s6 =	sadd.s32 $0x20, s13  }
0x1bd: {  	s12 =	sadd.s32 $0x80, s12;
	s8 =	sand.u32 $0x7F, s13;
	s2 =	sor.u32 s4, s2  }
0x1be: {  	s9 =	sshll.u32 s13, $0x2;
	s4 =	sshll.u32 s20, $0x2;
	s2 =	sshra.s32 s2, $0x2;
	v1 =	vadd.f32 v4, v1  }
0x1bf: {  	s7 =	sand.u32 $0x7F, s6;
	s6 =	sshll.u32 s6, $0x2;
	s2 =	sadd.s32 s2, s12;
	v2 =	vadd.f32 v5, v2  }
0x1c0: {  	s8 =	sshll.u32 s8, $0x2;
	s4 =	sand.u32 $0xFFFFFE00, s4;
	v5 =	vld [tilespmem:s2+$0x0];
	v3 =	vadd.f32 v7, v3;
	s2 =	sshll.u32 s5, $0x2  }
0x1c1: {  	s5 =	sand.u32 $0xFFFFFE00, s6;
	s6 =	sshll.u32 s7, $0x2;
	s7 =	sand.u32 $0xFFFFFE00, s9  }
0x1c2: {  	s2 =	sor.u32 s2, s4;
	s4 =	sor.u32 s8, s7;
	(v2sf) =	vpush v8, $0x0  }
.Ltmp7:
0x1c3: {  	s5 =	sor.u32 s6, s5;
	s2 =	sshra.s32 s2, $0x2;
	(pc) =	sbr.rel @p1 .LBB2_13-.Ltmp7, $4  }
0x1c4: {  	s4 =	sshra.s32 s4, $0x2;
	s5 =	sshra.s32 s5, $0x2;
	s2 =	sadd.s32 s2, s12  }
0x1c5: {  	s7 =	sadd.s32 s4, s12;
	s13 =	spop (v2sf);
	v4 =	vld [tilespmem:s2+$0x0];
	s2 =	sadd.s32 s5, s12;
	v0 =	vadd.f32 v5, v0  }
0x1c6: {  	s4 =	sshra.s32 s14, $0x2;
	s20 =	sadd.s32 $0x10, s13;
	s6 =	sadd.s32 $0x30, s13;
	v5 =	vld [tilespmem:s2+$0x0]  }
0x1c7: {  	s14 =	sadd.s32 $0x4, s14;
	s5 =	sand.u32 $0x7F, s6;
	s6 =	sshll.u32 s6, $0x2;
	v7 =	vld [tilespmem:s7+$0x0]  }
0x1c8: {  	_ =	sdelay $0x3  }
0x1c9: {  	v6 =	vld.idx.msk [tilespmem:v6+s4+$0x0 ss:$0x1], $0x1;
	s2 =	sand.u32 $0xFFFFFE00, s6  }
0x1ca: {  	s9 =	sshll.u32 s5, $0x2;
	s14 =	sand.u32 $0x7F, s20;
	s15 =	sadd.s32 $0x20, s13  }
0x1cb: {  	s20 =	sshll.u32 s20, $0x2;
	s7 =	sadd.s32 $0x80, s12;
	s21 =	sshll.u32 s13, $0x2  }
0x1cc: {  	s2 =	sor.u32 s9, s2;
	s8 =	sand.u32 $0x7F, s15;
	s4 =	sshll.u32 s15, $0x2  }
0x1cd: {  	s9 =	sand.u32 $0x7F, s13;
	s6 =	sand.u32 $0xFFFFFE00, s20;
	s5 =	sshll.u32 s14, $0x2  }
0x1ce: {  	s12 =	sand.u32 $0xFFFFFE00, s21;
	s2 =	sshra.s32 s2, $0x2;
	s4 =	sand.u32 $0xFFFFFE00, s4;
	(v2sf) =	vpush v6, $0x0  }
0x1cf: {  	s9 =	sshll.u32 s9, $0x2;
	s5 =	sor.u32 s5, s6;
	s8 =	sshll.u32 s8, $0x2  }
0x1d0: {  	s2 =	sadd.s32 s2, s7;
	s9 =	sor.u32 s9, s12;
	s5 =	sshra.s32 s5, $0x2  }
0x1d1: {  	s4 =	sor.u32 s8, s4;
	s12 =	sshra.s32 s9, $0x2;
	s5 =	sadd.s32 s5, s7  }
0x1d2: {  	s4 =	sshra.s32 s4, $0x2;
	s6 =	sadd.s32 s12, s7;
	s8 =	spop (v2sf)  }
0x1d3: {  	s4 =	sadd.s32 s4, s7;
	s7 =	sadd.s32 $0x80, s7;
	s13 =	sadd.s32 $0x30, s8  }
0x1d4: {  	s15 =	sadd.s32 $0x10, s8;
	s20 =	sadd.s32 $0x20, s8;
	s21 =	sand.u32 $0x7F, s8  }
0x1d5: {  	s8 =	sshll.u32 s8, $0x2;
	s14 =	sand.u32 $0x7F, s13;
	s9 =	sshll.u32 s13, $0x2  }
0x1d6: {  	s13 =	sshll.u32 s15, $0x2;
	s8 =	sand.u32 $0xFFFFFE00, s8;
	s9 =	sand.u32 $0xFFFFFE00, s9  }
0x1d7: {  	s12 =	sshll.u32 s14, $0x2;
	s14 =	sand.u32 $0x7F, s15;
	s15 =	sand.u32 $0x7F, s20  }
0x1d8: {  	s13 =	sand.u32 $0xFFFFFE00, s13;
	s9 =	sor.u32 s12, s9;
	s12 =	sshll.u32 s20, $0x2  }
0x1d9: {  	s14 =	sshll.u32 s14, $0x2;
	s20 =	sshll.u32 s21, $0x2;
	s15 =	sshll.u32 s15, $0x2  }
0x1da: {  	s9 =	sshra.s32 s9, $0x2;
	s12 =	sand.u32 $0xFFFFFE00, s12;
	s13 =	sor.u32 s14, s13  }
0x1db: {  	s8 =	sor.u32 s20, s8;
	s9 =	sadd.s32 s9, s7;
	s13 =	sshra.s32 s13, $0x2  }
0x1dc: {  	s12 =	sor.u32 s15, s12;
	s8 =	sshra.s32 s8, $0x2;
	s13 =	sadd.s32 s13, s7  }
0x1dd: {  	s12 =	sshra.s32 s12, $0x2;
	s8 =	sadd.s32 s8, s7;
	s14 =	spop (v2sf)  }
0x1de: {  	s12 =	sadd.s32 s12, s7;
	s7 =	sadd.s32 $0x80, s7;
	s20 =	sadd.s32 $0x30, s14  }
0x1df: {  	v6 =	vld [tilespmem:s2+$0x0];
	s2 =	sadd.s32 $0x10, s14;
	s21 =	sshll.u32 s20, $0x2;
	s15 =	sand.u32 $0x7F, s20  }
0x1e0: {  	v8 =	vld [tilespmem:s5+$0x0];
	s20 =	sand.u32 $0xFFFFFE00, s21;
	s21 =	sand.u32 $0x7F, s2;
	s2 =	sshll.u32 s2, $0x2  }
0x1e1: {  	v9 =	vld [tilespmem:s4+$0x0];
	s4 =	sadd.s32 $0x20, s14;
	s5 =	sshll.u32 s15, $0x2;
	s2 =	sand.u32 $0xFFFFFE00, s2  }
0x1e2: {  	v10 =	vld [tilespmem:s6+$0x0];
	s15 =	sshll.u32 s21, $0x2;
	s21 =	sand.u32 $0x7F, s14;
	s14 =	sshll.u32 s14, $0x2  }
0x1e3: {  	v11 =	vld [tilespmem:s9+$0x0];
	s5 =	sor.u32 s5, s20;
	s2 =	sor.u32 s15, s2;
	s14 =	sand.u32 $0xFFFFFE00, s14  }
0x1e4: {  	v12 =	vld [tilespmem:s13+$0x0];
	s6 =	sshll.u32 s21, $0x2;
	s15 =	sand.u32 $0x7F, s4;
	s4 =	sshll.u32 s4, $0x2  }
0x1e5: {  	v13 =	vld [tilespmem:s8+$0x0];
	s5 =	sshra.s32 s5, $0x2;
	s6 =	sor.u32 s6, s14;
	s4 =	sand.u32 $0xFFFFFE00, s4  }
0x1e6: {  	v3 =	vadd.f32 v7, v3;
	v7 =	vld [tilespmem:s12+$0x0];
	s21 =	sshll.u32 s15, $0x2;
	s2 =	sshra.s32 s2, $0x2;
	s5 =	sadd.s32 s5, s7  }
0x1e7: {  	v1 =	vadd.f32 v4, v1;
	s6 =	sshra.s32 s6, $0x2;
	s4 =	sor.u32 s21, s4;
	s2 =	sadd.s32 s2, s7;
	v63 =	vld [tilespmem:s5+$0x0]  }
0x1e8: {  	v2 =	vadd.f32 v5, v2;
	v0 =	vadd.f32 v6, v0;
	s6 =	sadd.s32 s6, s7;
	s4 =	sshra.s32 s4, $0x2;
	v5 =	vld [tilespmem:s2+$0x0]  }
0x1e9: {  	v1 =	vadd.f32 v8, v1;
	v4 =	vld [tilespmem:s6+$0x0];
	s4 =	sadd.s32 s4, s7  }
0x1ea: {  	v3 =	vadd.f32 v10, v3;
	v0 =	vadd.f32 v11, v0;
	v8 =	vld [tilespmem:s4+$0x0]  }
0x1eb: {  	v2 =	vadd.f32 v9, v2;
	v1 =	vadd.f32 v12, v1  }
0x1ec: {  	v3 =	vadd.f32 v13, v3;
	v0 =	vadd.f32 v63, v0  }
0x1ed: {  	v2 =	vadd.f32 v7, v2;
	v1 =	vadd.f32 v5, v1  }
0x1ee: {  	v3 =	vadd.f32 v4, v3;
	[tilespmem:s11+$0x14070] =	vst v0  }
0x1ef: {  	v2 =	vadd.f32 v8, v2;
	[tilespmem:s11+$0x14050] =	vst v1  }
0x1f0: {  	[tilespmem:s11+$0x14040] =	vst v3  }
0x1f1: {  	s1 =	sadd.s32 @!p0 $0x300, s1;
	v7 =	vmov s29;
	s2 =	simm.s32 @!p0 $0x80;
	s4 =	simm.s32 @!p0 $0xC000;
	[tilespmem:s11+$0x14060] =	vst v2  }
0x1f2: {  	[tilespmem:s4], [sflag:$0x3] =	stream.indirect.gather @!p0 [hbm4b:s3+s2], $0x80, s1, s2, $0xb8;
	[tilespmem:$0x16000] =	vst v63  }
0x1f3: {  	_ =	swait.ge [sflag:s19], $0x4000  }
0x1f4: {  	[sflag:s19] =	ssyncset.done $0x0  }
0x1f5: {  	s6 =	simm.s32 $0x0;
	[sflag:s19] =	ssyncadd.s32 $0xFFFFC000  }
0x1f6: {  	v0 =	vld.idx.msk [tilespmem:v7+s6+$0x0 ss:$0x1], $0x1;
	_ =	sdelay $0x4  }
0x1f7: {  	(v2sf) =	vpush v0, $0x0;
	_ =	sdelay $0x4  }
0x1f8: {  	s7 =	simm.s32 $0x1  }
0x1f9: {  	v0 =	vld.idx.msk [tilespmem:v7+s7+$0x0 ss:$0x1], $0x1;
	_ =	sdelay $0x4  }
0x1fa: {  	(v2sf) =	vpush v0, $0x0;
	_ =	sdelay $0x3  }
0x1fb: {  	s20 =	simm.s32 $0x2;
	s1 =	sor.u32 $0x3, s10;
	s8 =	spop (v2sf)  }
0x1fc: {  	s10 =	simm.s32 $0x10000;
	s13 =	sadd.s32 $0x30, s8;
	s15 =	sadd.s32 $0x10, s8  }
0x1fd: {  	s9 =	sadd.s32 $0x20, s8;
	s12 =	sand.u32 $0x7F, s8;
	s2 =	sshll.u32 s8, $0x2  }
0x1fe: {  	s14 =	sand.u32 $0x7F, s13;
	s4 =	sshll.u32 s13, $0x2;
	s21 =	sand.u32 $0x7F, s15  }
0x1ff: {  	v0 =	vld.idx.msk [tilespmem:v7+s20+$0x0 ss:$0x1], $0x1;
	s6 =	sshll.u32 s15, $0x2;
	s4 =	sand.u32 $0xFFFFFE00, s4;
	s5 =	sshll.u32 s14, $0x2  }
0x200: {  	s11 =	sand.u32 $0x7F, s9;
	s2 =	sand.u32 $0xFFFFFE00, s2;
	s4 =	sor.u32 s5, s4  }
0x201: {  	s15 =	sshll.u32 s12, $0x2;
	s12 =	simm.s32 $0x10;
	s4 =	sshra.s32 s4, $0x2  }
0x202: {  	s6 =	sand.u32 $0xFFFFFE00, s6;
	s13 =	sshll.u32 s21, $0x2;
	s4 =	sadd.s32 $0x10000, s4  }
0x203: {  	s14 =	sshll.u32 s11, $0x2;
	s2 =	sor.u32 s15, s2;
	s5 =	sshll.u32 s9, $0x2;
	v2 =	vld [tilespmem:s4+$0x0]  }
0x204: {  	(v2sf) =	vpush v0, $0x0;
	s6 =	sor.u32 s13, s6;
	s2 =	sshra.s32 s2, $0x2;
	s5 =	sand.u32 $0xFFFFFE00, s5  }
0x205: {  	s20 =	sshra.s32 s6, $0x2;
	s2 =	sadd.s32 $0x10000, s2;
	s5 =	sor.u32 s14, s5  }
0x206: {  	s11 =	spop (v2sf);
	v6 =	vld [tilespmem:s2+$0x0];
	s4 =	sadd.s32 $0x10000, s20;
	s5 =	sshra.s32 s5, $0x2  }
0x207: {  	v1 =	vimm.f32 $0.0e+00;
	s13 =	sadd.s32 $0x10, s11;
	s21 =	sadd.s32 $0x30, s11;
	v4 =	vld [tilespmem:s4+$0x0];
	s5 =	sadd.s32 $0x10000, s5  }
0x208: {  	v3 =	vimm.f32 $0.0e+00;
	s6 =	sshll.u32 s21, $0x2;
	s4 =	simm.s32 $0x3;
	v5 =	vld [tilespmem:s5+$0x0];
	s5 =	sand.u32 $0x7F, s21;
	v0 =	vadd.f32 v2, v1;
	v2 =	vimm.f32 $0.0e+00  }
.LBB2_15:
0x209: {  	p1 =	sne.s32 s12, $0xC4;
	s2 =	sand.u32 $0xFFFFFE00, s6  }
0x20a: {  	v8 =	vld.idx.msk [tilespmem:v7+s4+$0x0 ss:$0x1], $0x1;
	s4 =	sshll.u32 s5, $0x2;
	s5 =	sand.u32 $0x7F, s13;
	s6 =	sadd.s32 $0x20, s11  }
0x20b: {  	s10 =	sadd.s32 $0x80, s10;
	s8 =	sand.u32 $0x7F, s11;
	s2 =	sor.u32 s4, s2  }
0x20c: {  	s9 =	sshll.u32 s11, $0x2;
	s4 =	sshll.u32 s13, $0x2;
	s2 =	sshra.s32 s2, $0x2;
	v1 =	vadd.f32 v4, v1  }
0x20d: {  	s7 =	sand.u32 $0x7F, s6;
	s6 =	sshll.u32 s6, $0x2;
	s2 =	sadd.s32 s2, s10;
	v2 =	vadd.f32 v5, v2  }
0x20e: {  	s8 =	sshll.u32 s8, $0x2;
	s4 =	sand.u32 $0xFFFFFE00, s4;
	v5 =	vld [tilespmem:s2+$0x0];
	v3 =	vadd.f32 v6, v3;
	s2 =	sshll.u32 s5, $0x2  }
0x20f: {  	s5 =	sand.u32 $0xFFFFFE00, s6;
	s6 =	sshll.u32 s7, $0x2;
	s7 =	sand.u32 $0xFFFFFE00, s9  }
0x210: {  	s2 =	sor.u32 s2, s4;
	s4 =	sor.u32 s8, s7;
	(v2sf) =	vpush v8, $0x0  }
.Ltmp8:
0x211: {  	s5 =	sor.u32 s6, s5;
	s2 =	sshra.s32 s2, $0x2;
	(pc) =	sbr.rel @p1 .LBB2_15-.Ltmp8, $4  }
0x212: {  	s4 =	sshra.s32 s4, $0x2;
	s5 =	sshra.s32 s5, $0x2;
	s2 =	sadd.s32 s2, s10  }
0x213: {  	s7 =	sadd.s32 s4, s10;
	s11 =	spop (v2sf);
	v4 =	vld [tilespmem:s2+$0x0];
	s2 =	sadd.s32 s5, s10;
	v0 =	vadd.f32 v5, v0  }
0x214: {  	s4 =	sshra.s32 s12, $0x2;
	s13 =	sadd.s32 $0x10, s11;
	s6 =	sadd.s32 $0x30, s11;
	v5 =	vld [tilespmem:s2+$0x0]  }
0x215: {  	s12 =	sadd.s32 $0x4, s12;
	s5 =	sand.u32 $0x7F, s6;
	s6 =	sshll.u32 s6, $0x2;
	v6 =	vld [tilespmem:s7+$0x0]  }
0x216: {  	_ =	sdelay $0x3  }
0x217: {  	v7 =	vld.idx.msk [tilespmem:v7+s4+$0x0 ss:$0x1], $0x1;
	s2 =	sand.u32 $0xFFFFFE00, s6;
	s12 =	sshll.u32 s5, $0x2  }
0x218: {  	s14 =	sand.u32 $0x7F, s13;
	s15 =	sadd.s32 $0x20, s11;
	s20 =	sshll.u32 s13, $0x2  }
0x219: {  	s7 =	sadd.s32 $0x80, s10;
	s9 =	sand.u32 $0x7F, s11;
	s21 =	sshll.u32 s11, $0x2  }
0x21a: {  	s2 =	sor.u32 s12, s2;
	s8 =	sand.u32 $0x7F, s15;
	s4 =	sshll.u32 s15, $0x2  }
0x21b: {  	s6 =	sand.u32 $0xFFFFFE00, s20;
	s5 =	sshll.u32 s14, $0x2;
	s10 =	sand.u32 $0xFFFFFE00, s21  }
0x21c: {  	s9 =	sshll.u32 s9, $0x2;
	s2 =	sshra.s32 s2, $0x2;
	s4 =	sand.u32 $0xFFFFFE00, s4;
	(v2sf) =	vpush v7, $0x0  }
0x21d: {  	s5 =	sor.u32 s5, s6;
	s8 =	sshll.u32 s8, $0x2;
	s11 =	sor.u32 s9, s10  }
0x21e: {  	s2 =	sadd.s32 s2, s7;
	s5 =	sshra.s32 s5, $0x2;
	s4 =	sor.u32 s8, s4  }
0x21f: {  	s12 =	sshra.s32 s11, $0x2;
	s5 =	sadd.s32 s5, s7;
	s4 =	sshra.s32 s4, $0x2  }
0x220: {  	s6 =	sadd.s32 s12, s7;
	s4 =	sadd.s32 s4, s7;
	s7 =	sadd.s32 $0x80, s7  }
0x221: {  	v10 =	vld [tilespmem:s6+$0x0];
	s6 =	sadd.s32 $0x80, s7;
	s8 =	spop (v2sf)  }
0x222: {  	s13 =	sadd.s32 $0x30, s8;
	s15 =	sadd.s32 $0x10, s8;
	s20 =	sadd.s32 $0x20, s8  }
0x223: {  	s14 =	sand.u32 $0x7F, s13;
	s9 =	sshll.u32 s13, $0x2;
	s12 =	sand.u32 $0x7F, s15  }
0x224: {  	s11 =	sshll.u32 s15, $0x2;
	s21 =	sand.u32 $0x7F, s20;
	s9 =	sand.u32 $0xFFFFFE00, s9  }
0x225: {  	s10 =	sshll.u32 s14, $0x2;
	s14 =	sand.u32 $0x7F, s8;
	s8 =	sshll.u32 s8, $0x2  }
0x226: {  	s11 =	sand.u32 $0xFFFFFE00, s11;
	s12 =	sshll.u32 s12, $0x2;
	s13 =	sshll.u32 s21, $0x2  }
0x227: {  	s9 =	sor.u32 s10, s9;
	s10 =	sshll.u32 s20, $0x2;
	s8 =	sand.u32 $0xFFFFFE00, s8  }
0x228: {  	s14 =	sshll.u32 s14, $0x2;
	s11 =	sor.u32 s12, s11;
	s9 =	sshra.s32 s9, $0x2  }
0x229: {  	s10 =	sand.u32 $0xFFFFFE00, s10;
	s8 =	sor.u32 s14, s8;
	s11 =	sshra.s32 s11, $0x2  }
0x22a: {  	s9 =	sadd.s32 s9, s7;
	s10 =	sor.u32 s13, s10;
	s8 =	sshra.s32 s8, $0x2  }
0x22b: {  	s11 =	sadd.s32 s11, s7;
	s10 =	sshra.s32 s10, $0x2;
	s12 =	spop (v2sf)  }
0x22c: {  	s8 =	sadd.s32 s8, s7;
	s10 =	sadd.s32 s10, s7;
	s15 =	sadd.s32 $0x30, s12  }
0x22d: {  	s21 =	sadd.s32 $0x10, s12;
	s20 =	sshll.u32 s15, $0x2;
	s13 =	sand.u32 $0x7F, s15  }
0x22e: {  	v7 =	vld [tilespmem:s2+$0x0];
	s15 =	sadd.s32 $0x20, s12;
	s2 =	sshll.u32 s21, $0x2;
	s14 =	sand.u32 $0xFFFFFE00, s20  }
0x22f: {  	v8 =	vld [tilespmem:s5+$0x0];
	s5 =	sshll.u32 s13, $0x2;
	s20 =	sand.u32 $0x7F, s12;
	s12 =	sshll.u32 s12, $0x2  }
0x230: {  	v9 =	vld [tilespmem:s4+$0x0];
	s13 =	sand.u32 $0x7F, s21;
	s2 =	sand.u32 $0xFFFFFE00, s2;
	s21 =	sand.u32 $0xFFFFFE00, s12  }
0x231: {  	v11 =	vld [tilespmem:s9+$0x0];
	s4 =	sshll.u32 s20, $0x2;
	s12 =	sand.u32 $0x7F, s15;
	s15 =	sshll.u32 s15, $0x2  }
0x232: {  	v12 =	vld [tilespmem:s11+$0x0];
	s20 =	sshll.u32 s13, $0x2;
	s4 =	sor.u32 s4, s21;
	s9 =	sand.u32 $0xFFFFFE00, s15  }
0x233: {  	v13 =	vld [tilespmem:s8+$0x0];
	s7 =	sshll.u32 s12, $0x2;
	s2 =	sor.u32 s20, s2;
	s4 =	sshra.s32 s4, $0x2  }
0x234: {  	v3 =	vadd.f32 v6, v3;
	v6 =	vld [tilespmem:s10+$0x0];
	s2 =	sshra.s32 s2, $0x2;
	s7 =	sor.u32 s7, s9;
	s4 =	sadd.s32 s4, s6  }
0x235: {  	v1 =	vadd.f32 v4, v1;
	s5 =	sor.u32 s5, s14;
	s2 =	sadd.s32 s2, s6;
	s7 =	sshra.s32 s7, $0x2;
	v4 =	vld [tilespmem:s4+$0x0]  }
0x236: {  	v2 =	vadd.f32 v5, v2;
	v3 =	vadd.f32 v10, v3;
	s21 =	sshra.s32 s5, $0x2;
	v5 =	vld [tilespmem:s2+$0x0];
	s5 =	sadd.s32 s7, s6  }
0x237: {  	v1 =	vadd.f32 v8, v1;
	s4 =	sadd.s32 s21, s6;
	v8 =	vld [tilespmem:s5+$0x0]  }
0x238: {  	v2 =	vadd.f32 v9, v2;
	v3 =	vadd.f32 v13, v3;
	v63 =	vld [tilespmem:s4+$0x0]  }
0x239: {  	v0 =	vadd.f32 v7, v0;
	v1 =	vadd.f32 v12, v1  }
0x23a: {  	v2 =	vadd.f32 v6, v2;
	v3 =	vadd.f32 v4, v3  }
0x23b: {  	s1 =	sshll.u32 s1, $0x7;
	v0 =	vadd.f32 v11, v0;
	v6 =	vmov s30;
	v1 =	vadd.f32 v5, v1  }
0x23c: {  	v2 =	vadd.f32 v8, v2;
	[tilespmem:s1+$0x14000] =	vst v3  }
0x23d: {  	v0 =	vadd.f32 v63, v0;
	[tilespmem:s1+$0x14010] =	vst v1  }
0x23e: {  	[tilespmem:s1+$0x14020] =	vst v2  }
0x23f: {  	s6 =	simm.s32 $0x0;
	[tilespmem:s1+$0x14030] =	vst v0  }
0x240: {  	v0 =	vld.idx.msk [tilespmem:v6+s6+$0x0 ss:$0x1], $0x1;
	_ =	sdelay $0x4  }
0x241: {  	(v2sf) =	vpush v0, $0x0;
	_ =	sdelay $0x4  }
0x242: {  	s7 =	simm.s32 $0x1  }
0x243: {  	v0 =	vld.idx.msk [tilespmem:v6+s7+$0x0 ss:$0x1], $0x1;
	_ =	sdelay $0x4  }
0x244: {  	(v2sf) =	vpush v0, $0x0;
	_ =	sdelay $0x3  }
0x245: {  	s10 =	simm.s32 $0x12000;
	s8 =	spop (v2sf)  }
0x246: {  	s20 =	simm.s32 $0x2;
	s13 =	sadd.s32 $0x30, s8;
	s15 =	sadd.s32 $0x10, s8  }
0x247: {  	s9 =	sadd.s32 $0x20, s8;
	s12 =	sand.u32 $0x7F, s8;
	s2 =	sshll.u32 s8, $0x2  }
0x248: {  	s14 =	sand.u32 $0x7F, s13;
	s4 =	sshll.u32 s13, $0x2;
	s21 =	sand.u32 $0x7F, s15  }
0x249: {  	v0 =	vld.idx.msk [tilespmem:v6+s20+$0x0 ss:$0x1], $0x1;
	s6 =	sshll.u32 s15, $0x2;
	s4 =	sand.u32 $0xFFFFFE00, s4;
	s5 =	sshll.u32 s14, $0x2  }
0x24a: {  	s11 =	sand.u32 $0x7F, s9;
	s2 =	sand.u32 $0xFFFFFE00, s2;
	s4 =	sor.u32 s5, s4  }
0x24b: {  	s15 =	sshll.u32 s12, $0x2;
	s12 =	simm.s32 $0x10;
	s4 =	sshra.s32 s4, $0x2  }
0x24c: {  	s6 =	sand.u32 $0xFFFFFE00, s6;
	s13 =	sshll.u32 s21, $0x2;
	s4 =	sadd.s32 $0x12000, s4  }
0x24d: {  	s14 =	sshll.u32 s11, $0x2;
	s2 =	sor.u32 s15, s2;
	s5 =	sshll.u32 s9, $0x2;
	v2 =	vld [tilespmem:s4+$0x0]  }
0x24e: {  	(v2sf) =	vpush v0, $0x0;
	s6 =	sor.u32 s13, s6;
	s2 =	sshra.s32 s2, $0x2;
	s5 =	sand.u32 $0xFFFFFE00, s5  }
0x24f: {  	s20 =	sshra.s32 s6, $0x2;
	s2 =	sadd.s32 $0x12000, s2;
	s5 =	sor.u32 s14, s5  }
0x250: {  	s11 =	spop (v2sf);
	v7 =	vld [tilespmem:s2+$0x0];
	s4 =	sadd.s32 $0x12000, s20;
	s5 =	sshra.s32 s5, $0x2  }
0x251: {  	v1 =	vimm.f32 $0.0e+00;
	s13 =	sadd.s32 $0x10, s11;
	s21 =	sadd.s32 $0x30, s11;
	v4 =	vld [tilespmem:s4+$0x0];
	s5 =	sadd.s32 $0x12000, s5  }
0x252: {  	v3 =	vimm.f32 $0.0e+00;
	s6 =	sshll.u32 s21, $0x2;
	s4 =	simm.s32 $0x3;
	v5 =	vld [tilespmem:s5+$0x0];
	s5 =	sand.u32 $0x7F, s21;
	v0 =	vadd.f32 v2, v1;
	v2 =	vimm.f32 $0.0e+00  }
.LBB2_17:
0x253: {  	p1 =	sne.s32 s12, $0xC4;
	s2 =	sand.u32 $0xFFFFFE00, s6  }
0x254: {  	v8 =	vld.idx.msk [tilespmem:v6+s4+$0x0 ss:$0x1], $0x1;
	s4 =	sshll.u32 s5, $0x2;
	s5 =	sand.u32 $0x7F, s13;
	s6 =	sadd.s32 $0x20, s11  }
0x255: {  	s10 =	sadd.s32 $0x80, s10;
	s8 =	sand.u32 $0x7F, s11;
	s2 =	sor.u32 s4, s2  }
0x256: {  	s9 =	sshll.u32 s11, $0x2;
	s4 =	sshll.u32 s13, $0x2;
	s2 =	sshra.s32 s2, $0x2;
	v1 =	vadd.f32 v4, v1  }
0x257: {  	s7 =	sand.u32 $0x7F, s6;
	s6 =	sshll.u32 s6, $0x2;
	s2 =	sadd.s32 s2, s10;
	v2 =	vadd.f32 v5, v2  }
0x258: {  	s8 =	sshll.u32 s8, $0x2;
	s4 =	sand.u32 $0xFFFFFE00, s4;
	v5 =	vld [tilespmem:s2+$0x0];
	v3 =	vadd.f32 v7, v3;
	s2 =	sshll.u32 s5, $0x2  }
0x259: {  	s5 =	sand.u32 $0xFFFFFE00, s6;
	s6 =	sshll.u32 s7, $0x2;
	s7 =	sand.u32 $0xFFFFFE00, s9  }
0x25a: {  	s2 =	sor.u32 s2, s4;
	s4 =	sor.u32 s8, s7;
	(v2sf) =	vpush v8, $0x0  }
.Ltmp9:
0x25b: {  	s5 =	sor.u32 s6, s5;
	s2 =	sshra.s32 s2, $0x2;
	(pc) =	sbr.rel @p1 .LBB2_17-.Ltmp9, $4  }
0x25c: {  	s4 =	sshra.s32 s4, $0x2;
	s5 =	sshra.s32 s5, $0x2;
	s2 =	sadd.s32 s2, s10  }
0x25d: {  	s7 =	sadd.s32 s4, s10;
	s11 =	spop (v2sf);
	v4 =	vld [tilespmem:s2+$0x0];
	s2 =	sadd.s32 s5, s10;
	v0 =	vadd.f32 v5, v0  }
0x25e: {  	s4 =	sshra.s32 s12, $0x2;
	s13 =	sadd.s32 $0x10, s11;
	s6 =	sadd.s32 $0x30, s11;
	v5 =	vld [tilespmem:s2+$0x0]  }
0x25f: {  	s12 =	sadd.s32 $0x4, s12;
	s5 =	sand.u32 $0x7F, s6;
	s6 =	sshll.u32 s6, $0x2;
	v7 =	vld [tilespmem:s7+$0x0]  }
0x260: {  	_ =	sdelay $0x3  }
0x261: {  	v6 =	vld.idx.msk [tilespmem:v6+s4+$0x0 ss:$0x1], $0x1;
	s2 =	sand.u32 $0xFFFFFE00, s6  }
0x262: {  	s12 =	sshll.u32 s5, $0x2;
	s14 =	sand.u32 $0x7F, s13;
	s15 =	sadd.s32 $0x20, s11  }
0x263: {  	s20 =	sshll.u32 s13, $0x2;
	s7 =	sadd.s32 $0x80, s10;
	s9 =	sand.u32 $0x7F, s11  }
0x264: {  	s21 =	sshll.u32 s11, $0x2;
	s2 =	sor.u32 s12, s2;
	s8 =	sand.u32 $0x7F, s15  }
0x265: {  	s4 =	sshll.u32 s15, $0x2;
	s6 =	sand.u32 $0xFFFFFE00, s20;
	s5 =	sshll.u32 s14, $0x2  }
0x266: {  	s10 =	sand.u32 $0xFFFFFE00, s21;
	s9 =	sshll.u32 s9, $0x2;
	s2 =	sshra.s32 s2, $0x2;
	(v2sf) =	vpush v6, $0x0  }
0x267: {  	s4 =	sand.u32 $0xFFFFFE00, s4;
	s5 =	sor.u32 s5, s6;
	s8 =	sshll.u32 s8, $0x2  }
0x268: {  	s11 =	sor.u32 s9, s10;
	s2 =	sadd.s32 s2, s7;
	s5 =	sshra.s32 s5, $0x2  }
0x269: {  	s4 =	sor.u32 s8, s4;
	s12 =	sshra.s32 s11, $0x2;
	s5 =	sadd.s32 s5, s7  }
0x26a: {  	s4 =	sshra.s32 s4, $0x2;
	s6 =	sadd.s32 s12, s7;
	s8 =	spop (v2sf)  }
0x26b: {  	s4 =	sadd.s32 s4, s7;
	s7 =	sadd.s32 $0x80, s7;
	s13 =	sadd.s32 $0x30, s8  }
0x26c: {  	s15 =	sadd.s32 $0x10, s8;
	s20 =	sadd.s32 $0x20, s8;
	s14 =	sand.u32 $0x7F, s13  }
0x26d: {  	s9 =	sshll.u32 s13, $0x2;
	s12 =	sand.u32 $0x7F, s15;
	s11 =	sshll.u32 s15, $0x2  }
0x26e: {  	s21 =	sand.u32 $0x7F, s20;
	s9 =	sand.u32 $0xFFFFFE00, s9;
	s10 =	sshll.u32 s14, $0x2  }
0x26f: {  	s14 =	sand.u32 $0x7F, s8;
	s8 =	sshll.u32 s8, $0x2;
	s11 =	sand.u32 $0xFFFFFE00, s11  }
0x270: {  	s12 =	sshll.u32 s12, $0x2;
	s13 =	sshll.u32 s21, $0x2;
	s9 =	sor.u32 s10, s9  }
0x271: {  	s10 =	sshll.u32 s20, $0x2;
	s8 =	sand.u32 $0xFFFFFE00, s8;
	s14 =	sshll.u32 s14, $0x2  }
0x272: {  	s11 =	sor.u32 s12, s11;
	s9 =	sshra.s32 s9, $0x2;
	s10 =	sand.u32 $0xFFFFFE00, s10  }
0x273: {  	s8 =	sor.u32 s14, s8;
	s11 =	sshra.s32 s11, $0x2;
	s9 =	sadd.s32 s9, s7  }
0x274: {  	s10 =	sor.u32 s13, s10;
	s8 =	sshra.s32 s8, $0x2;
	s11 =	sadd.s32 s11, s7  }
0x275: {  	s10 =	sshra.s32 s10, $0x2;
	s8 =	sadd.s32 s8, s7;
	s12 =	spop (v2sf)  }
0x276: {  	s10 =	sadd.s32 s10, s7;
	s7 =	sadd.s32 $0x80, s7;
	s15 =	sadd.s32 $0x30, s12  }
0x277: {  	v58 =	vld [tilespmem:s2+$0x0];
	s21 =	sadd.s32 $0x10, s12;
	s20 =	sshll.u32 s15, $0x2;
	s13 =	sand.u32 $0x7F, s15  }
0x278: {  	v8 =	vld [tilespmem:s5+$0x0];
	s15 =	sand.u32 $0x7F, s21;
	s2 =	sshll.u32 s21, $0x2;
	s21 =	sand.u32 $0x7F, s12  }
0x279: {  	v10 =	vld [tilespmem:s6+$0x0];
	s14 =	sand.u32 $0xFFFFFE00, s20;
	s5 =	sshll.u32 s13, $0x2;
	s20 =	sadd.s32 $0x20, s12  }
0x27a: {  	v9 =	vld [tilespmem:s4+$0x0];
	s2 =	sand.u32 $0xFFFFFE00, s2;
	s13 =	sshll.u32 s15, $0x2;
	s12 =	sshll.u32 s12, $0x2  }
0x27b: {  	v11 =	vld [tilespmem:s9+$0x0];
	s6 =	sshll.u32 s21, $0x2;
	s2 =	sor.u32 s13, s2;
	s12 =	sand.u32 $0xFFFFFE00, s12  }
0x27c: {  	v12 =	vld [tilespmem:s11+$0x0];
	s13 =	sand.u32 $0x7F, s20;
	s4 =	sshll.u32 s20, $0x2;
	s5 =	sor.u32 s5, s14  }
0x27d: {  	v13 =	vld [tilespmem:s8+$0x0];
	s6 =	sor.u32 s6, s12;
	s4 =	sand.u32 $0xFFFFFE00, s4;
	s2 =	sshra.s32 s2, $0x2  }
0x27e: {  	v1 =	vadd.f32 v4, v1;
	v59 =	vld [tilespmem:s10+$0x0];
	s15 =	sshll.u32 s13, $0x2;
	s5 =	sshra.s32 s5, $0x2;
	s2 =	sadd.s32 s2, s7  }
0x27f: {  	s6 =	sshra.s32 s6, $0x2;
	s4 =	sor.u32 s15, s4;
	s21 =	sadd.s32 s5, s7;
	v61 =	vld [tilespmem:s2+$0x0]  }
0x280: {  	v3 =	vadd.f32 v7, v3;
	v1 =	vadd.f32 v8, v1;
	s6 =	sadd.s32 s6, s7;
	s4 =	sshra.s32 s4, $0x2;
	v63 =	vld [tilespmem:s21+$0x0]  }
0x281: {  	v2 =	vadd.f32 v5, v2;
	v0 =	vadd.f32 v58, v0;
	v60 =	vld [tilespmem:s6+$0x0];
	s20 =	sadd.s32 s4, s7  }
0x282: {  	v3 =	vadd.f32 v10, v3;
	v1 =	vadd.f32 v12, v1;
	v62 =	vld [tilespmem:s20+$0x0]  }
0x283: {  	v2 =	vadd.f32 v9, v2;
	v0 =	vadd.f32 v11, v0  }
0x284: {  	v3 =	vadd.f32 v13, v3;
	v1 =	vadd.f32 v61, v1  }
.Ltmp10:
0x285: {  	v2 =	vadd.f32 v59, v2;
	v0 =	vadd.f32 v63, v0;
	(pc) =	sbr.rel @p0 .LBB2_20-.Ltmp10, $4  }
0x286: {  	v3 =	vadd.f32 v60, v3;
	[tilespmem:s1+$0x14050] =	vst v1  }
0x287: {  	v2 =	vadd.f32 v62, v2;
	[tilespmem:s1+$0x14070] =	vst v0  }
0x288: {  	[tilespmem:s1+$0x14040] =	vst v3  }
0x289: {  	[tilespmem:s1+$0x14060] =	vst v2  }
0x28a: {  	s0 =	sshrl.u32 s0, $0x2;
	s1 =	simm.s32 $0x80  }
.Ltmp11:
0x28b: {  	s2 =	simm.s32 $0x10000;
	s31 =	sadd.s32 $0x1, s31;
	(pc) =	sbr.rel .LBB2_2-.Ltmp11, $4  }
0x28c: {  	s22 =	sadd.s32 $0x200, s22;
	s23 =	sadd.s32 $0x200, s23;
	s24 =	sadd.s32 $0x200, s24  }
0x28d: {  	s25 =	sadd.s32 $0x200, s25;
	s26 =	sadd.s32 $0x200, s26;
	s28 =	sadd.s32 $0x200, s28  }
0x28e: {  	s29 =	sadd.s32 $0x200, s29;
	s30 =	sadd.s32 $0x200, s30;
	s0 =	sadd.s32 $0x380, s0  }
0x28f: {  	[tilespmem:s2], [sflag:$0x4] =	stream.indirect.gather [hbm4b:s3+s1], $0x80, s0, s1, $0xb8;
	[tilespmem:$0x16000] =	vst v63  }
.LBB2_21:
0x290: {  	_ =	sfence.sel $0x180000  }
0x291: {  	[bflag:$0x0] =	sbarrier.arrive $0xFFFF  }
0x292: {  	_ =	strace $0x90000047  }
0x293: {  	s0 =	stileid.u32;
	[bflag:$0x2] =	sbarrier.arrive $0xFFFF  }
0x294: {  	p0 =	sne.s32 s0, $0x0;
	s0 =	rddreg [dreg:$0x2]  }
0x295: {  	s0 =	sadd.s32 @!p0 $0x100000, s0  }
0x296: {  	[sflag:s0] =	ssyncadd.tile.s32 @!p0 $0x1;
	_ =	shalt  }
.Lfunc_end2:
_tile_overlayer_lowered:
.L_overlay_start_2:
0x297: {  	(tag) =	ssettag $0x2  }
0x298: {  	s0 =	rddreg [dreg:$0x0];
	s2 =	stileid.u32  }
0x299: {  	s1 =	rddreg [dreg:$0x1];
	p0 =	sne.s32 s2, $0x0  }
0x29a: {  	s3 =	rddreg [dreg:$0x2];
	[bflag:$0x3] =	sbarrier.arrive $0xFFFF;
	s2 =	simm.s32 @!p0 $0x1C05  }
0x29b: {  	[timem:s3], [sflag:s2] =	dma.local @!p0 [hbm:s0], s1  }
0x29c: {  	s0 =	simm.s32 @!p0 $0x5  }
0x29d: {  	_ =	swait.ge @!p0 [sflag:s0], s1  }
0x29e: {  	s1 =	ssub.s32 @!p0 $0x0, s1;
	[sflag:s0] =	ssyncset.done @!p0 $0x0  }
0x29f: {  	[sflag:s0] =	ssyncadd.s32 @!p0 s1  }
0x2a0: {  	[bflag:$0x3] =	sbarrier.arrive $0xFFFF  }
0x2a1: {  	_ =	shalt  }

</sc_bundles>
